<compile_context>
chip_gen: v7x
topology: tpu7x:2x2x1
jax: 0.10.2.dev20260603
libtpu: 0.0.44.dev20260713+nightly
codegen_flags: <defaults>
</compile_context>

<pallas_src>
import functools

import jax
import jax.numpy as jnp
from jax import lax
from jax.experimental import pallas as pl
from jax.experimental.pallas import tpu as pltpu
from jax.experimental.pallas import tpu_sc as plsc

N = 10000
E = 320000
D = 128

NC = 2
NS = 16
NW = NC * NS

BATCH = 80
NBUF = 4
NB = E // (NW * BATCH)
N_PAD = 10112
ZROWS = N_PAD // NS

MM_BLK = 1000


def _i32(v):
    return jnp.asarray(v, jnp.int32)


def _mmc_body(p_ref, w_ref, b_ref, o_ref):
    agg = p_ref[0] + p_ref[1]
    o_ref[...] = jnp.dot(agg, w_ref[...],
                         preferred_element_type=jnp.float32) + b_ref[...]


def _matmul_combine(parts, w, b2d):
    return pl.pallas_call(
        _mmc_body,
        grid=(N // MM_BLK,),
        in_specs=[
            pl.BlockSpec((2, MM_BLK, D), lambda i: (_i32(0), i, _i32(0))),
            pl.BlockSpec((D, D), lambda i: (_i32(0), _i32(0))),
            pl.BlockSpec((1, D), lambda i: (_i32(0), _i32(0))),
        ],
        out_specs=pl.BlockSpec((MM_BLK, D), lambda i: (i, _i32(0))),
        out_shape=jax.ShapeDtypeStruct((N, D), jnp.float32),
    )(parts, w, b2d)


@functools.partial(
    pl.kernel,
    mesh=plsc.VectorSubcoreMesh(core_axis_name="c", subcore_axis_name="s"),
    out_type=jax.ShapeDtypeStruct((NC, N_PAD, D), jnp.float32),
    scratch_types=[
        pltpu.VMEM((NBUF, BATCH), jnp.int32),
        pltpu.VMEM((NBUF, BATCH), jnp.int32),
        pltpu.VMEM((NBUF, BATCH, D), jnp.float32),
        pltpu.VMEM_SHARED((N_PAD, D), jnp.float32),
        pltpu.SemaphoreType.DMA,
        pltpu.SemaphoreType.DMA,
    ],
)
def _sc_scatter(support_hbm, ei_hbm, zeros_hbm, out_hbm,
                src_v, dst_v, rows_v, acc_sh, sem_g, sem_i):
    c = lax.axis_index("c")
    s = lax.axis_index("s")
    wid = s * NC + c
    base = wid * (NB * BATCH)

    def src_at(j):
        return ei_hbm.at[pl.ds(base + j * BATCH, BATCH)]

    def dst_at(j):
        return ei_hbm.at[pl.ds(E + base + j * BATCH, BATCH)]

    for k in range(NBUF - 1):
        ik = jnp.int32(k)
        pltpu.sync_copy(src_at(ik), src_v.at[ik])
        pltpu.async_copy(support_hbm.at[src_v.at[ik]], rows_v.at[ik], sem_g)
    for k in range(NBUF - 1):
        ik = jnp.int32(k)
        pltpu.sync_copy(dst_at(ik), dst_v.at[ik])
    ilast = jnp.int32(NBUF - 1)
    pltpu.async_copy(src_at(ilast), src_v.at[ilast], sem_i)
    pltpu.async_copy(dst_at(ilast), dst_v.at[ilast], sem_i)

    pltpu.sync_copy(zeros_hbm, acc_sh.at[pl.ds(s * ZROWS, ZROWS)])
    plsc.subcore_barrier()

    def step(j, carry):
        p = _i32(j % NBUF)
        pltpu.make_async_copy(support_hbm.at[src_v.at[p]],
                              rows_v.at[p], sem_g).wait()
        pltpu.sync_copy(rows_v.at[p], acc_sh.at[dst_v.at[p]], add=True)

        @pl.when(j + NBUF - 1 < NB)
        def _():
            q = _i32((j + NBUF - 1) % NBUF)
            pltpu.make_async_copy(src_at(j + NBUF - 1), src_v.at[q],
                                  sem_i).wait()
            pltpu.make_async_copy(dst_at(j + NBUF - 1), dst_v.at[q],
                                  sem_i).wait()
            pltpu.async_copy(support_hbm.at[src_v.at[q]], rows_v.at[q],
                             sem_g)

        @pl.when(j + NBUF < NB)
        def _():
            pltpu.async_copy(src_at(j + NBUF), src_v.at[p], sem_i)
            pltpu.async_copy(dst_at(j + NBUF), dst_v.at[p], sem_i)

        return carry

    lax.fori_loop(jnp.int32(0), jnp.int32(NB), step, jnp.int32(0))

    plsc.subcore_barrier()
    pltpu.sync_copy(acc_sh.at[pl.ds(s * ZROWS, ZROWS)],
                    out_hbm.at[c, pl.ds(s * ZROWS, ZROWS)])


def kernel(x, edge_index, W, b):
    ei32 = edge_index.astype(jnp.int32).reshape(-1)
    zeros = jnp.zeros((ZROWS, D), jnp.float32)

    parts = _sc_scatter(x, ei32, zeros)
    return _matmul_combine(parts, W, b.reshape(1, D))

# --- scband reference (transcript-rebuilt; emitter-appended) ---
"""Pipeline reference for scband-graph-conv-layer-48198122996246 (READ-ONLY COPY).

The authoritative reference and input builder live on the scoring server;
editing this copy changes nothing except your own understanding.
"""

import jax
import jax.numpy as jnp
import numpy as np

jax.config.update("jax_enable_x64", True)

N = 10000
E = 320000
D_IN = 128
D_OUT = 128


def setup_inputs(seed: int = 0) -> dict:
    key = jax.random.key(seed)
    k1, k2, k3, k4 = jax.random.split(key, 4)
    x = jax.random.normal(k1, (N, D_IN), dtype=jnp.float32)
    edge_index = jax.random.randint(k2, (2, E), 0, N, dtype=jnp.int64)
    stdv = 1.0 / np.sqrt(D_OUT)
    W = jax.random.uniform(k3, (D_IN, D_OUT), dtype=jnp.float32, minval=-stdv, maxval=stdv)
    b = jax.random.uniform(k4, (D_OUT,), dtype=jnp.float32, minval=-stdv, maxval=stdv)
    return {"x": x, "edge_index": edge_index, "W": W, "b": b}


def reference(x, edge_index, W, b):
    # support = x @ W  (dropout=0.0 so no-op)
    support = jnp.dot(x, W)
    # sparse mm from edge_index: output[dst] += support[src]
    src = edge_index[0]
    dst = edge_index[1]
    gathered = jnp.take(support, src, axis=0)
    output = jnp.zeros_like(support).at[dst].add(gathered)
    # bias
    output = output + b
    return output

if __name__ == "__main__":
    import jax
    _d = setup_inputs()
    print(jax.jit(kernel)(*tuple(_d.values())))

</pallas_src>

<mosaic_0001>
#map = affine_map<(d0, d1) -> (0, 0)>
#map1 = affine_map<(d0, d1) -> (0)>
#map2 = affine_map<(d0, d1) -> (0, 0, 0)>
module attributes {stable_mosaic.version = 14 : i64} {
  func.func @_sc_scatter(%arg0: i32, %arg1: i32, %arg2: memref<10000x128xf32, #tpu.memory_space<hbm>>, %arg3: memref<640000xi32, #tpu.memory_space<hbm>>, %arg4: memref<632x128xf32, #tpu.memory_space<hbm>>, %arg5: memref<2x10112x128xf32, #tpu.memory_space<hbm>>, %arg6: memref<4x80xi32, #tpu.memory_space<vmem>>, %arg7: memref<4x80xi32, #tpu.memory_space<vmem>>, %arg8: memref<4x80x128xf32, #tpu.memory_space<vmem>>, %arg9: memref<10112x128xf32, #tpu.memory_space<vmem_shared>>, %arg10: memref<!tpu.dma_semaphore, #tpu.memory_space<semaphore_mem>>, %arg11: memref<!tpu.dma_semaphore, #tpu.memory_space<semaphore_mem>>) attributes {dimension_semantics = [#tpu.dimension_semantics<core_parallel>, #tpu.dimension_semantics<subcore_parallel>], iteration_bounds = array<i64: 2, 16>, scalar_prefetch = 0 : i64, scratch_operands = 6 : i64, tpu.core_type = #tpu.core_type<sc_vector_subcore>, window_params = [{transform_indices = #map}, {transform_indices = #map1}, {transform_indices = #map}, {transform_indices = #map2}]} {
    %mul3A = arith.constant 2 : i32
    %mul3A_0 = arith.muli %arg1, %mul3A : i32
    %add3A = arith.addi %mul3A_0, %arg0 : i32
    %mul3A_1 = arith.constant 10000 : i32
    %mul3A_2 = arith.muli %add3A, %mul3A_1 : i32
    %mul3A_3 = arith.constant 0 : i32
    %mul3A_4 = arith.constant 80 : i32
    %mul3A_5 = arith.muli %mul3A_3, %mul3A_4 : i32
    %add3A_6 = arith.addi %mul3A_2, %mul3A_5 : i32
    %run_scoped3A = arith.constant 0 : i32
    "tpu.region"() ({
      %run_scoped3A_118 = tpu.sem_alloc : memref<!tpu.dma_semaphore, #tpu.memory_space<semaphore_mem>>
      %dma_start3A_119 = arith.constant 0 : i32
      %dma_start3A_120 = tpu.memref_slice %arg6[%run_scoped3A, %dma_start3A_119] : memref<4x80xi32, #tpu.memory_space<vmem>> -> memref<1x80xi32, #tpu.memory_space<vmem>>
      %dma_start3A_121 = tpu.memref_squeeze %dma_start3A_120 : memref<1x80xi32, #tpu.memory_space<vmem>> -> memref<80xi32, #tpu.memory_space<vmem>>
      %dma_start3A_122 = tpu.memref_slice %arg3[%add3A_6] : memref<640000xi32, #tpu.memory_space<hbm>> -> memref<80xi32, #tpu.memory_space<hbm>>
      %dma_start3A_123 = arith.constant 0 : i32
      %dma_start3A_124 = tpu.memref_slice %arg6[%run_scoped3A, %dma_start3A_123] : memref<4x80xi32, #tpu.memory_space<vmem>> -> memref<1x80xi32, #tpu.memory_space<vmem>>
      %dma_start3A_125 = tpu.memref_squeeze %dma_start3A_124 : memref<1x80xi32, #tpu.memory_space<vmem>> -> memref<80xi32, #tpu.memory_space<vmem>>
      %dma_start3A_126 = tpu.memref_slice %arg3[%add3A_6] : memref<640000xi32, #tpu.memory_space<hbm>> -> memref<80xi32, #tpu.memory_space<hbm>>
      tpu.enqueue_dma source(%dma_start3A_126 : memref<80xi32, #tpu.memory_space<hbm>>) target(%dma_start3A_125 : memref<80xi32, #tpu.memory_space<vmem>>) target_semaphore(%run_scoped3A_118 : memref<!tpu.dma_semaphore, #tpu.memory_space<semaphore_mem>>)
      %dma_wait3A = arith.constant 0 : i32
      %dma_wait3A_127 = tpu.memref_slice %arg6[%run_scoped3A, %dma_wait3A] : memref<4x80xi32, #tpu.memory_space<vmem>> -> memref<1x80xi32, #tpu.memory_space<vmem>>
      %dma_wait3A_128 = tpu.memref_squeeze %dma_wait3A_127 : memref<1x80xi32, #tpu.memory_space<vmem>> -> memref<80xi32, #tpu.memory_space<vmem>>
      %dma_wait3A_129 = tpu.memref_slice %arg3[%add3A_6] : memref<640000xi32, #tpu.memory_space<hbm>> -> memref<80xi32, #tpu.memory_space<hbm>>
      %dma_wait3A_130 = arith.constant 0 : i32
      %dma_wait3A_131 = tpu.memref_slice %arg6[%run_scoped3A, %dma_wait3A_130] : memref<4x80xi32, #tpu.memory_space<vmem>> -> memref<1x80xi32, #tpu.memory_space<vmem>>
      %dma_wait3A_132 = tpu.memref_squeeze %dma_wait3A_131 : memref<1x80xi32, #tpu.memory_space<vmem>> -> memref<80xi32, #tpu.memory_space<vmem>>
      %dma_wait3A_133 = tpu.memref_slice %arg3[%add3A_6] : memref<640000xi32, #tpu.memory_space<hbm>> -> memref<80xi32, #tpu.memory_space<hbm>>
      tpu.wait_dma2 semaphore(%run_scoped3A_118 : memref<!tpu.dma_semaphore, #tpu.memory_space<semaphore_mem>>) src(%dma_wait3A_133 : memref<80xi32, #tpu.memory_space<hbm>>) dst(%dma_wait3A_132 : memref<80xi32, #tpu.memory_space<vmem>>)
      tpu.yield
    }) : () -> ()
    %dma_start3A = arith.constant 0 : i32
    %dma_start3A_7 = arith.constant 0 : i32
    %dma_start3A_8 = arith.constant 0 : i32
    %dma_start3A_9 = arith.constant 0 : i32
    %dma_start3A_10 = tpu.memref_slice %arg8[%dma_start3A_7, %dma_start3A_8, %dma_start3A_9] : memref<4x80x128xf32, #tpu.memory_space<vmem>> -> memref<1x80x128xf32, #tpu.memory_space<vmem>>
    %dma_start3A_11 = tpu.memref_squeeze %dma_start3A_10 : memref<1x80x128xf32, #tpu.memory_space<vmem>> -> memref<80x128xf32, #tpu.memory_space<vmem>>
    %dma_start3A_12 = arith.constant 0 : i32
    %dma_start3A_13 = tpu.memref_slice %arg6[%dma_start3A, %dma_start3A_12] : memref<4x80xi32, #tpu.memory_space<vmem>> -> memref<1x80xi32, #tpu.memory_space<vmem>>
    %dma_start3A_14 = tpu.memref_squeeze %dma_start3A_13 : memref<1x80xi32, #tpu.memory_space<vmem>> -> memref<80xi32, #tpu.memory_space<vmem>>
    %dma_start3A_15 = arith.constant 0 : i32
    %dma_start3A_16 = arith.constant 0 : i32
    %dma_start3A_17 = tpu.memref_slice %arg2[%dma_start3A_15, %dma_start3A_16] : memref<10000x128xf32, #tpu.memory_space<hbm>> -> memref<10000x128xf32, #tpu.memory_space<hbm>>
    tpu.enqueue_indirect_dma source(%dma_start3A_17 : memref<10000x128xf32, #tpu.memory_space<hbm>>) target(%dma_start3A_11 : memref<80x128xf32, #tpu.memory_space<vmem>>) offsets(%dma_start3A_14 : memref<80xi32, #tpu.memory_space<vmem>>) semaphore(%arg10 : memref<!tpu.dma_semaphore, #tpu.memory_space<semaphore_mem>>)
    %mul3A_18 = arith.constant 1 : i32
    %mul3A_19 = arith.constant 80 : i32
    %mul3A_20 = arith.muli %mul3A_18, %mul3A_19 : i32
    %add3A_21 = arith.addi %mul3A_2, %mul3A_20 : i32
    %run_scoped3A_22 = arith.constant 1 : i32
    "tpu.region"() ({
      %run_scoped3A_118 = tpu.sem_alloc : memref<!tpu.dma_semaphore, #tpu.memory_space<semaphore_mem>>
      %dma_start3A_119 = arith.constant 0 : i32
      %dma_start3A_120 = tpu.memref_slice %arg6[%run_scoped3A_22, %dma_start3A_119] : memref<4x80xi32, #tpu.memory_space<vmem>> -> memref<1x80xi32, #tpu.memory_space<vmem>>
      %dma_start3A_121 = tpu.memref_squeeze %dma_start3A_120 : memref<1x80xi32, #tpu.memory_space<vmem>> -> memref<80xi32, #tpu.memory_space<vmem>>
      %dma_start3A_122 = tpu.memref_slice %arg3[%add3A_21] : memref<640000xi32, #tpu.memory_space<hbm>> -> memref<80xi32, #tpu.memory_space<hbm>>
      %dma_start3A_123 = arith.constant 0 : i32
      %dma_start3A_124 = tpu.memref_slice %arg6[%run_scoped3A_22, %dma_start3A_123] : memref<4x80xi32, #tpu.memory_space<vmem>> -> memref<1x80xi32, #tpu.memory_space<vmem>>
      %dma_start3A_125 = tpu.memref_squeeze %dma_start3A_124 : memref<1x80xi32, #tpu.memory_space<vmem>> -> memref<80xi32, #tpu.memory_space<vmem>>
      %dma_start3A_126 = tpu.memref_slice %arg3[%add3A_21] : memref<640000xi32, #tpu.memory_space<hbm>> -> memref<80xi32, #tpu.memory_space<hbm>>
      tpu.enqueue_dma source(%dma_start3A_126 : memref<80xi32, #tpu.memory_space<hbm>>) target(%dma_start3A_125 : memref<80xi32, #tpu.memory_space<vmem>>) target_semaphore(%run_scoped3A_118 : memref<!tpu.dma_semaphore, #tpu.memory_space<semaphore_mem>>)
      %dma_wait3A = arith.constant 0 : i32
      %dma_wait3A_127 = tpu.memref_slice %arg6[%run_scoped3A_22, %dma_wait3A] : memref<4x80xi32, #tpu.memory_space<vmem>> -> memref<1x80xi32, #tpu.memory_space<vmem>>
      %dma_wait3A_128 = tpu.memref_squeeze %dma_wait3A_127 : memref<1x80xi32, #tpu.memory_space<vmem>> -> memref<80xi32, #tpu.memory_space<vmem>>
      %dma_wait3A_129 = tpu.memref_slice %arg3[%add3A_21] : memref<640000xi32, #tpu.memory_space<hbm>> -> memref<80xi32, #tpu.memory_space<hbm>>
      %dma_wait3A_130 = arith.constant 0 : i32
      %dma_wait3A_131 = tpu.memref_slice %arg6[%run_scoped3A_22, %dma_wait3A_130] : memref<4x80xi32, #tpu.memory_space<vmem>> -> memref<1x80xi32, #tpu.memory_space<vmem>>
      %dma_wait3A_132 = tpu.memref_squeeze %dma_wait3A_131 : memref<1x80xi32, #tpu.memory_space<vmem>> -> memref<80xi32, #tpu.memory_space<vmem>>
      %dma_wait3A_133 = tpu.memref_slice %arg3[%add3A_21] : memref<640000xi32, #tpu.memory_space<hbm>> -> memref<80xi32, #tpu.memory_space<hbm>>
      tpu.wait_dma2 semaphore(%run_scoped3A_118 : memref<!tpu.dma_semaphore, #tpu.memory_space<semaphore_mem>>) src(%dma_wait3A_133 : memref<80xi32, #tpu.memory_space<hbm>>) dst(%dma_wait3A_132 : memref<80xi32, #tpu.memory_space<vmem>>)
      tpu.yield
    }) : () -> ()
    %dma_start3A_23 = arith.constant 1 : i32
    %dma_start3A_24 = arith.constant 1 : i32
    %dma_start3A_25 = arith.constant 0 : i32
    %dma_start3A_26 = arith.constant 0 : i32
    %dma_start3A_27 = tpu.memref_slice %arg8[%dma_start3A_24, %dma_start3A_25, %dma_start3A_26] : memref<4x80x128xf32, #tpu.memory_space<vmem>> -> memref<1x80x128xf32, #tpu.memory_space<vmem>>
    %dma_start3A_28 = tpu.memref_squeeze %dma_start3A_27 : memref<1x80x128xf32, #tpu.memory_space<vmem>> -> memref<80x128xf32, #tpu.memory_space<vmem>>
    %dma_start3A_29 = arith.constant 0 : i32
    %dma_start3A_30 = tpu.memref_slice %arg6[%dma_start3A_23, %dma_start3A_29] : memref<4x80xi32, #tpu.memory_space<vmem>> -> memref<1x80xi32, #tpu.memory_space<vmem>>
    %dma_start3A_31 = tpu.memref_squeeze %dma_start3A_30 : memref<1x80xi32, #tpu.memory_space<vmem>> -> memref<80xi32, #tpu.memory_space<vmem>>
    %dma_start3A_32 = arith.constant 0 : i32
    %dma_start3A_33 = arith.constant 0 : i32
    %dma_start3A_34 = tpu.memref_slice %arg2[%dma_start3A_32, %dma_start3A_33] : memref<10000x128xf32, #tpu.memory_space<hbm>> -> memref<10000x128xf32, #tpu.memory_space<hbm>>
    tpu.enqueue_indirect_dma source(%dma_start3A_34 : memref<10000x128xf32, #tpu.memory_space<hbm>>) target(%dma_start3A_28 : memref<80x128xf32, #tpu.memory_space<vmem>>) offsets(%dma_start3A_31 : memref<80xi32, #tpu.memory_space<vmem>>) semaphore(%arg10 : memref<!tpu.dma_semaphore, #tpu.memory_space<semaphore_mem>>)
    %mul3A_35 = arith.constant 2 : i32
    %mul3A_36 = arith.constant 80 : i32
    %mul3A_37 = arith.muli %mul3A_35, %mul3A_36 : i32
    %add3A_38 = arith.addi %mul3A_2, %mul3A_37 : i32
    %run_scoped3A_39 = arith.constant 2 : i32
    "tpu.region"() ({
      %run_scoped3A_118 = tpu.sem_alloc : memref<!tpu.dma_semaphore, #tpu.memory_space<semaphore_mem>>
      %dma_start3A_119 = arith.constant 0 : i32
      %dma_start3A_120 = tpu.memref_slice %arg6[%run_scoped3A_39, %dma_start3A_119] : memref<4x80xi32, #tpu.memory_space<vmem>> -> memref<1x80xi32, #tpu.memory_space<vmem>>
      %dma_start3A_121 = tpu.memref_squeeze %dma_start3A_120 : memref<1x80xi32, #tpu.memory_space<vmem>> -> memref<80xi32, #tpu.memory_space<vmem>>
      %dma_start3A_122 = tpu.memref_slice %arg3[%add3A_38] : memref<640000xi32, #tpu.memory_space<hbm>> -> memref<80xi32, #tpu.memory_space<hbm>>
      %dma_start3A_123 = arith.constant 0 : i32
      %dma_start3A_124 = tpu.memref_slice %arg6[%run_scoped3A_39, %dma_start3A_123] : memref<4x80xi32, #tpu.memory_space<vmem>> -> memref<1x80xi32, #tpu.memory_space<vmem>>
      %dma_start3A_125 = tpu.memref_squeeze %dma_start3A_124 : memref<1x80xi32, #tpu.memory_space<vmem>> -> memref<80xi32, #tpu.memory_space<vmem>>
      %dma_start3A_126 = tpu.memref_slice %arg3[%add3A_38] : memref<640000xi32, #tpu.memory_space<hbm>> -> memref<80xi32, #tpu.memory_space<hbm>>
      tpu.enqueue_dma source(%dma_start3A_126 : memref<80xi32, #tpu.memory_space<hbm>>) target(%dma_start3A_125 : memref<80xi32, #tpu.memory_space<vmem>>) target_semaphore(%run_scoped3A_118 : memref<!tpu.dma_semaphore, #tpu.memory_space<semaphore_mem>>)
      %dma_wait3A = arith.constant 0 : i32
      %dma_wait3A_127 = tpu.memref_slice %arg6[%run_scoped3A_39, %dma_wait3A] : memref<4x80xi32, #tpu.memory_space<vmem>> -> memref<1x80xi32, #tpu.memory_space<vmem>>
      %dma_wait3A_128 = tpu.memref_squeeze %dma_wait3A_127 : memref<1x80xi32, #tpu.memory_space<vmem>> -> memref<80xi32, #tpu.memory_space<vmem>>
      %dma_wait3A_129 = tpu.memref_slice %arg3[%add3A_38] : memref<640000xi32, #tpu.memory_space<hbm>> -> memref<80xi32, #tpu.memory_space<hbm>>
      %dma_wait3A_130 = arith.constant 0 : i32
      %dma_wait3A_131 = tpu.memref_slice %arg6[%run_scoped3A_39, %dma_wait3A_130] : memref<4x80xi32, #tpu.memory_space<vmem>> -> memref<1x80xi32, #tpu.memory_space<vmem>>
      %dma_wait3A_132 = tpu.memref_squeeze %dma_wait3A_131 : memref<1x80xi32, #tpu.memory_space<vmem>> -> memref<80xi32, #tpu.memory_space<vmem>>
      %dma_wait3A_133 = tpu.memref_slice %arg3[%add3A_38] : memref<640000xi32, #tpu.memory_space<hbm>> -> memref<80xi32, #tpu.memory_space<hbm>>
      tpu.wait_dma2 semaphore(%run_scoped3A_118 : memref<!tpu.dma_semaphore, #tpu.memory_space<semaphore_mem>>) src(%dma_wait3A_133 : memref<80xi32, #tpu.memory_space<hbm>>) dst(%dma_wait3A_132 : memref<80xi32, #tpu.memory_space<vmem>>)
      tpu.yield
    }) : () -> ()
    %dma_start3A_40 = arith.constant 2 : i32
    %dma_start3A_41 = arith.constant 2 : i32
    %dma_start3A_42 = arith.constant 0 : i32
    %dma_start3A_43 = arith.constant 0 : i32
    %dma_start3A_44 = tpu.memref_slice %arg8[%dma_start3A_41, %dma_start3A_42, %dma_start3A_43] : memref<4x80x128xf32, #tpu.memory_space<vmem>> -> memref<1x80x128xf32, #tpu.memory_space<vmem>>
    %dma_start3A_45 = tpu.memref_squeeze %dma_start3A_44 : memref<1x80x128xf32, #tpu.memory_space<vmem>> -> memref<80x128xf32, #tpu.memory_space<vmem>>
    %dma_start3A_46 = arith.constant 0 : i32
    %dma_start3A_47 = tpu.memref_slice %arg6[%dma_start3A_40, %dma_start3A_46] : memref<4x80xi32, #tpu.memory_space<vmem>> -> memref<1x80xi32, #tpu.memory_space<vmem>>
    %dma_start3A_48 = tpu.memref_squeeze %dma_start3A_47 : memref<1x80xi32, #tpu.memory_space<vmem>> -> memref<80xi32, #tpu.memory_space<vmem>>
    %dma_start3A_49 = arith.constant 0 : i32
    %dma_start3A_50 = arith.constant 0 : i32
    %dma_start3A_51 = tpu.memref_slice %arg2[%dma_start3A_49, %dma_start3A_50] : memref<10000x128xf32, #tpu.memory_space<hbm>> -> memref<10000x128xf32, #tpu.memory_space<hbm>>
    tpu.enqueue_indirect_dma source(%dma_start3A_51 : memref<10000x128xf32, #tpu.memory_space<hbm>>) target(%dma_start3A_45 : memref<80x128xf32, #tpu.memory_space<vmem>>) offsets(%dma_start3A_48 : memref<80xi32, #tpu.memory_space<vmem>>) semaphore(%arg10 : memref<!tpu.dma_semaphore, #tpu.memory_space<semaphore_mem>>)
    %add3A_52 = arith.constant 320000 : i32
    %add3A_53 = arith.addi %add3A_52, %mul3A_2 : i32
    %mul3A_54 = arith.constant 0 : i32
    %mul3A_55 = arith.constant 80 : i32
    %mul3A_56 = arith.muli %mul3A_54, %mul3A_55 : i32
    %add3A_57 = arith.addi %add3A_53, %mul3A_56 : i32
    %run_scoped3A_58 = arith.constant 0 : i32
    "tpu.region"() ({
      %run_scoped3A_118 = tpu.sem_alloc : memref<!tpu.dma_semaphore, #tpu.memory_space<semaphore_mem>>
      %dma_start3A_119 = arith.constant 0 : i32
      %dma_start3A_120 = tpu.memref_slice %arg7[%run_scoped3A_58, %dma_start3A_119] : memref<4x80xi32, #tpu.memory_space<vmem>> -> memref<1x80xi32, #tpu.memory_space<vmem>>
      %dma_start3A_121 = tpu.memref_squeeze %dma_start3A_120 : memref<1x80xi32, #tpu.memory_space<vmem>> -> memref<80xi32, #tpu.memory_space<vmem>>
      %dma_start3A_122 = tpu.memref_slice %arg3[%add3A_57] : memref<640000xi32, #tpu.memory_space<hbm>> -> memref<80xi32, #tpu.memory_space<hbm>>
      %dma_start3A_123 = arith.constant 0 : i32
      %dma_start3A_124 = tpu.memref_slice %arg7[%run_scoped3A_58, %dma_start3A_123] : memref<4x80xi32, #tpu.memory_space<vmem>> -> memref<1x80xi32, #tpu.memory_space<vmem>>
      %dma_start3A_125 = tpu.memref_squeeze %dma_start3A_124 : memref<1x80xi32, #tpu.memory_space<vmem>> -> memref<80xi32, #tpu.memory_space<vmem>>
      %dma_start3A_126 = tpu.memref_slice %arg3[%add3A_57] : memref<640000xi32, #tpu.memory_space<hbm>> -> memref<80xi32, #tpu.memory_space<hbm>>
      tpu.enqueue_dma source(%dma_start3A_126 : memref<80xi32, #tpu.memory_space<hbm>>) target(%dma_start3A_125 : memref<80xi32, #tpu.memory_space<vmem>>) target_semaphore(%run_scoped3A_118 : memref<!tpu.dma_semaphore, #tpu.memory_space<semaphore_mem>>)
      %dma_wait3A = arith.constant 0 : i32
      %dma_wait3A_127 = tpu.memref_slice %arg7[%run_scoped3A_58, %dma_wait3A] : memref<4x80xi32, #tpu.memory_space<vmem>> -> memref<1x80xi32, #tpu.memory_space<vmem>>
      %dma_wait3A_128 = tpu.memref_squeeze %dma_wait3A_127 : memref<1x80xi32, #tpu.memory_space<vmem>> -> memref<80xi32, #tpu.memory_space<vmem>>
      %dma_wait3A_129 = tpu.memref_slice %arg3[%add3A_57] : memref<640000xi32, #tpu.memory_space<hbm>> -> memref<80xi32, #tpu.memory_space<hbm>>
      %dma_wait3A_130 = arith.constant 0 : i32
      %dma_wait3A_131 = tpu.memref_slice %arg7[%run_scoped3A_58, %dma_wait3A_130] : memref<4x80xi32, #tpu.memory_space<vmem>> -> memref<1x80xi32, #tpu.memory_space<vmem>>
      %dma_wait3A_132 = tpu.memref_squeeze %dma_wait3A_131 : memref<1x80xi32, #tpu.memory_space<vmem>> -> memref<80xi32, #tpu.memory_space<vmem>>
      %dma_wait3A_133 = tpu.memref_slice %arg3[%add3A_57] : memref<640000xi32, #tpu.memory_space<hbm>> -> memref<80xi32, #tpu.memory_space<hbm>>
      tpu.wait_dma2 semaphore(%run_scoped3A_118 : memref<!tpu.dma_semaphore, #tpu.memory_space<semaphore_mem>>) src(%dma_wait3A_133 : memref<80xi32, #tpu.memory_space<hbm>>) dst(%dma_wait3A_132 : memref<80xi32, #tpu.memory_space<vmem>>)
      tpu.yield
    }) : () -> ()
    %add3A_59 = arith.constant 320000 : i32
    %add3A_60 = arith.addi %add3A_59, %mul3A_2 : i32
    %mul3A_61 = arith.constant 1 : i32
    %mul3A_62 = arith.constant 80 : i32
    %mul3A_63 = arith.muli %mul3A_61, %mul3A_62 : i32
    %add3A_64 = arith.addi %add3A_60, %mul3A_63 : i32
    %run_scoped3A_65 = arith.constant 1 : i32
    "tpu.region"() ({
      %run_scoped3A_118 = tpu.sem_alloc : memref<!tpu.dma_semaphore, #tpu.memory_space<semaphore_mem>>
      %dma_start3A_119 = arith.constant 0 : i32
      %dma_start3A_120 = tpu.memref_slice %arg7[%run_scoped3A_65, %dma_start3A_119] : memref<4x80xi32, #tpu.memory_space<vmem>> -> memref<1x80xi32, #tpu.memory_space<vmem>>
      %dma_start3A_121 = tpu.memref_squeeze %dma_start3A_120 : memref<1x80xi32, #tpu.memory_space<vmem>> -> memref<80xi32, #tpu.memory_space<vmem>>
      %dma_start3A_122 = tpu.memref_slice %arg3[%add3A_64] : memref<640000xi32, #tpu.memory_space<hbm>> -> memref<80xi32, #tpu.memory_space<hbm>>
      %dma_start3A_123 = arith.constant 0 : i32
      %dma_start3A_124 = tpu.memref_slice %arg7[%run_scoped3A_65, %dma_start3A_123] : memref<4x80xi32, #tpu.memory_space<vmem>> -> memref<1x80xi32, #tpu.memory_space<vmem>>
      %dma_start3A_125 = tpu.memref_squeeze %dma_start3A_124 : memref<1x80xi32, #tpu.memory_space<vmem>> -> memref<80xi32, #tpu.memory_space<vmem>>
      %dma_start3A_126 = tpu.memref_slice %arg3[%add3A_64] : memref<640000xi32, #tpu.memory_space<hbm>> -> memref<80xi32, #tpu.memory_space<hbm>>
      tpu.enqueue_dma source(%dma_start3A_126 : memref<80xi32, #tpu.memory_space<hbm>>) target(%dma_start3A_125 : memref<80xi32, #tpu.memory_space<vmem>>) target_semaphore(%run_scoped3A_118 : memref<!tpu.dma_semaphore, #tpu.memory_space<semaphore_mem>>)
      %dma_wait3A = arith.constant 0 : i32
      %dma_wait3A_127 = tpu.memref_slice %arg7[%run_scoped3A_65, %dma_wait3A] : memref<4x80xi32, #tpu.memory_space<vmem>> -> memref<1x80xi32, #tpu.memory_space<vmem>>
      %dma_wait3A_128 = tpu.memref_squeeze %dma_wait3A_127 : memref<1x80xi32, #tpu.memory_space<vmem>> -> memref<80xi32, #tpu.memory_space<vmem>>
      %dma_wait3A_129 = tpu.memref_slice %arg3[%add3A_64] : memref<640000xi32, #tpu.memory_space<hbm>> -> memref<80xi32, #tpu.memory_space<hbm>>
      %dma_wait3A_130 = arith.constant 0 : i32
      %dma_wait3A_131 = tpu.memref_slice %arg7[%run_scoped3A_65, %dma_wait3A_130] : memref<4x80xi32, #tpu.memory_space<vmem>> -> memref<1x80xi32, #tpu.memory_space<vmem>>
      %dma_wait3A_132 = tpu.memref_squeeze %dma_wait3A_131 : memref<1x80xi32, #tpu.memory_space<vmem>> -> memref<80xi32, #tpu.memory_space<vmem>>
      %dma_wait3A_133 = tpu.memref_slice %arg3[%add3A_64] : memref<640000xi32, #tpu.memory_space<hbm>> -> memref<80xi32, #tpu.memory_space<hbm>>
      tpu.wait_dma2 semaphore(%run_scoped3A_118 : memref<!tpu.dma_semaphore, #tpu.memory_space<semaphore_mem>>) src(%dma_wait3A_133 : memref<80xi32, #tpu.memory_space<hbm>>) dst(%dma_wait3A_132 : memref<80xi32, #tpu.memory_space<vmem>>)
      tpu.yield
    }) : () -> ()
    %add3A_66 = arith.constant 320000 : i32
    %add3A_67 = arith.addi %add3A_66, %mul3A_2 : i32
    %mul3A_68 = arith.constant 2 : i32
    %mul3A_69 = arith.constant 80 : i32
    %mul3A_70 = arith.muli %mul3A_68, %mul3A_69 : i32
    %add3A_71 = arith.addi %add3A_67, %mul3A_70 : i32
    %run_scoped3A_72 = arith.constant 2 : i32
    "tpu.region"() ({
      %run_scoped3A_118 = tpu.sem_alloc : memref<!tpu.dma_semaphore, #tpu.memory_space<semaphore_mem>>
      %dma_start3A_119 = arith.constant 0 : i32
      %dma_start3A_120 = tpu.memref_slice %arg7[%run_scoped3A_72, %dma_start3A_119] : memref<4x80xi32, #tpu.memory_space<vmem>> -> memref<1x80xi32, #tpu.memory_space<vmem>>
      %dma_start3A_121 = tpu.memref_squeeze %dma_start3A_120 : memref<1x80xi32, #tpu.memory_space<vmem>> -> memref<80xi32, #tpu.memory_space<vmem>>
      %dma_start3A_122 = tpu.memref_slice %arg3[%add3A_71] : memref<640000xi32, #tpu.memory_space<hbm>> -> memref<80xi32, #tpu.memory_space<hbm>>
      %dma_start3A_123 = arith.constant 0 : i32
      %dma_start3A_124 = tpu.memref_slice %arg7[%run_scoped3A_72, %dma_start3A_123] : memref<4x80xi32, #tpu.memory_space<vmem>> -> memref<1x80xi32, #tpu.memory_space<vmem>>
      %dma_start3A_125 = tpu.memref_squeeze %dma_start3A_124 : memref<1x80xi32, #tpu.memory_space<vmem>> -> memref<80xi32, #tpu.memory_space<vmem>>
      %dma_start3A_126 = tpu.memref_slice %arg3[%add3A_71] : memref<640000xi32, #tpu.memory_space<hbm>> -> memref<80xi32, #tpu.memory_space<hbm>>
      tpu.enqueue_dma source(%dma_start3A_126 : memref<80xi32, #tpu.memory_space<hbm>>) target(%dma_start3A_125 : memref<80xi32, #tpu.memory_space<vmem>>) target_semaphore(%run_scoped3A_118 : memref<!tpu.dma_semaphore, #tpu.memory_space<semaphore_mem>>)
      %dma_wait3A = arith.constant 0 : i32
      %dma_wait3A_127 = tpu.memref_slice %arg7[%run_scoped3A_72, %dma_wait3A] : memref<4x80xi32, #tpu.memory_space<vmem>> -> memref<1x80xi32, #tpu.memory_space<vmem>>
      %dma_wait3A_128 = tpu.memref_squeeze %dma_wait3A_127 : memref<1x80xi32, #tpu.memory_space<vmem>> -> memref<80xi32, #tpu.memory_space<vmem>>
      %dma_wait3A_129 = tpu.memref_slice %arg3[%add3A_71] : memref<640000xi32, #tpu.memory_space<hbm>> -> memref<80xi32, #tpu.memory_space<hbm>>
      %dma_wait3A_130 = arith.constant 0 : i32
      %dma_wait3A_131 = tpu.memref_slice %arg7[%run_scoped3A_72, %dma_wait3A_130] : memref<4x80xi32, #tpu.memory_space<vmem>> -> memref<1x80xi32, #tpu.memory_space<vmem>>
      %dma_wait3A_132 = tpu.memref_squeeze %dma_wait3A_131 : memref<1x80xi32, #tpu.memory_space<vmem>> -> memref<80xi32, #tpu.memory_space<vmem>>
      %dma_wait3A_133 = tpu.memref_slice %arg3[%add3A_71] : memref<640000xi32, #tpu.memory_space<hbm>> -> memref<80xi32, #tpu.memory_space<hbm>>
      tpu.wait_dma2 semaphore(%run_scoped3A_118 : memref<!tpu.dma_semaphore, #tpu.memory_space<semaphore_mem>>) src(%dma_wait3A_133 : memref<80xi32, #tpu.memory_space<hbm>>) dst(%dma_wait3A_132 : memref<80xi32, #tpu.memory_space<vmem>>)
      tpu.yield
    }) : () -> ()
    %mul3A_73 = arith.constant 3 : i32
    %mul3A_74 = arith.constant 80 : i32
    %mul3A_75 = arith.muli %mul3A_73, %mul3A_74 : i32
    %add3A_76 = arith.addi %mul3A_2, %mul3A_75 : i32
    %dma_start3A_77 = arith.constant 3 : i32
    %dma_start3A_78 = arith.constant 0 : i32
    %dma_start3A_79 = tpu.memref_slice %arg6[%dma_start3A_77, %dma_start3A_78] : memref<4x80xi32, #tpu.memory_space<vmem>> -> memref<1x80xi32, #tpu.memory_space<vmem>>
    %dma_start3A_80 = tpu.memref_squeeze %dma_start3A_79 : memref<1x80xi32, #tpu.memory_space<vmem>> -> memref<80xi32, #tpu.memory_space<vmem>>
    %dma_start3A_81 = tpu.memref_slice %arg3[%add3A_76] : memref<640000xi32, #tpu.memory_space<hbm>> -> memref<80xi32, #tpu.memory_space<hbm>>
    %dma_start3A_82 = arith.constant 0 : i32
    %dma_start3A_83 = tpu.memref_slice %arg6[%dma_start3A_77, %dma_start3A_82] : memref<4x80xi32, #tpu.memory_space<vmem>> -> memref<1x80xi32, #tpu.memory_space<vmem>>
    %dma_start3A_84 = tpu.memref_squeeze %dma_start3A_83 : memref<1x80xi32, #tpu.memory_space<vmem>> -> memref<80xi32, #tpu.memory_space<vmem>>
    %dma_start3A_85 = tpu.memref_slice %arg3[%add3A_76] : memref<640000xi32, #tpu.memory_space<hbm>> -> memref<80xi32, #tpu.memory_space<hbm>>
    tpu.enqueue_dma source(%dma_start3A_85 : memref<80xi32, #tpu.memory_space<hbm>>) target(%dma_start3A_84 : memref<80xi32, #tpu.memory_space<vmem>>) target_semaphore(%arg11 : memref<!tpu.dma_semaphore, #tpu.memory_space<semaphore_mem>>)
    %add3A_86 = arith.constant 320000 : i32
    %add3A_87 = arith.addi %add3A_86, %mul3A_2 : i32
    %mul3A_88 = arith.constant 3 : i32
    %mul3A_89 = arith.constant 80 : i32
    %mul3A_90 = arith.muli %mul3A_88, %mul3A_89 : i32
    %add3A_91 = arith.addi %add3A_87, %mul3A_90 : i32
    %dma_start3A_92 = arith.constant 3 : i32
    %dma_start3A_93 = arith.constant 0 : i32
    %dma_start3A_94 = tpu.memref_slice %arg7[%dma_start3A_92, %dma_start3A_93] : memref<4x80xi32, #tpu.memory_space<vmem>> -> memref<1x80xi32, #tpu.memory_space<vmem>>
    %dma_start3A_95 = tpu.memref_squeeze %dma_start3A_94 : memref<1x80xi32, #tpu.memory_space<vmem>> -> memref<80xi32, #tpu.memory_space<vmem>>
    %dma_start3A_96 = tpu.memref_slice %arg3[%add3A_91] : memref<640000xi32, #tpu.memory_space<hbm>> -> memref<80xi32, #tpu.memory_space<hbm>>
    %dma_start3A_97 = arith.constant 0 : i32
    %dma_start3A_98 = tpu.memref_slice %arg7[%dma_start3A_92, %dma_start3A_97] : memref<4x80xi32, #tpu.memory_space<vmem>> -> memref<1x80xi32, #tpu.memory_space<vmem>>
    %dma_start3A_99 = tpu.memref_squeeze %dma_start3A_98 : memref<1x80xi32, #tpu.memory_space<vmem>> -> memref<80xi32, #tpu.memory_space<vmem>>
    %dma_start3A_100 = tpu.memref_slice %arg3[%add3A_91] : memref<640000xi32, #tpu.memory_space<hbm>> -> memref<80xi32, #tpu.memory_space<hbm>>
    tpu.enqueue_dma source(%dma_start3A_100 : memref<80xi32, #tpu.memory_space<hbm>>) target(%dma_start3A_99 : memref<80xi32, #tpu.memory_space<vmem>>) target_semaphore(%arg11 : memref<!tpu.dma_semaphore, #tpu.memory_space<semaphore_mem>>)
    %mul3A_101 = arith.constant 632 : i32
    %mul3A_102 = arith.muli %arg1, %mul3A_101 : i32
    "tpu.region"() ({
      %run_scoped3A_118 = tpu.sem_alloc : memref<!tpu.dma_semaphore, #tpu.memory_space<semaphore_mem>>
      %dma_start3A_119 = arith.constant 0 : i32
      %dma_start3A_120 = tpu.memref_slice %arg9[%mul3A_102, %dma_start3A_119] : memref<10112x128xf32, #tpu.memory_space<vmem_shared>> -> memref<632x128xf32, #tpu.memory_space<vmem_shared>>
      tpu.enqueue_dma source(%arg4 : memref<632x128xf32, #tpu.memory_space<hbm>>) target(%dma_start3A_120 : memref<632x128xf32, #tpu.memory_space<vmem_shared>>) target_semaphore(%run_scoped3A_118 : memref<!tpu.dma_semaphore, #tpu.memory_space<semaphore_mem>>)
      %dma_wait3A = arith.constant 0 : i32
      %dma_wait3A_121 = tpu.memref_slice %arg9[%mul3A_102, %dma_wait3A] : memref<10112x128xf32, #tpu.memory_space<vmem_shared>> -> memref<632x128xf32, #tpu.memory_space<vmem_shared>>
      tpu.wait_dma2 semaphore(%run_scoped3A_118 : memref<!tpu.dma_semaphore, #tpu.memory_space<semaphore_mem>>) src(%arg4 : memref<632x128xf32, #tpu.memory_space<hbm>>) dst(%dma_wait3A_121 : memref<632x128xf32, #tpu.memory_space<vmem_shared>>)
      tpu.yield
    }) : () -> ()
    %barrier3A = arith.constant 0 : index
    tpu.barrier barrier_id(%barrier3A)
    %while3A = arith.constant 0 : i32
    %while3A_103 = arith.constant 0 : i32
    %while3A_104 = arith.constant 125 : i32
    %while3A_105 = arith.subi %while3A_104, %while3A_103 : i32
    %while3A_106 = arith.addi %while3A_103, %while3A_105 : i32
    %while3A_107 = arith.constant 1 : i32
    %while3A_108 = arith.divsi %while3A_105, %while3A_107 : i32
    %while3A_109 = arith.muli %while3A_108, %while3A_107 : i32
    %while3A_110 = arith.addi %while3A_103, %while3A_109 : i32
    %while3A_111 = arith.constant 1 : i32
    scf.for %while3A_118 = %while3A_103 to %while3A_110 step %while3A_111  : i32 {
      %jit3A = arith.constant 4 : i64
      %convert_element_type3A = arith.trunci %jit3A : i64 to i32
      %eq3A = arith.constant 0 : i32
      %eq3A_119 = arith.cmpi eq, %convert_element_type3A, %eq3A : i32
      %jit3A_120 = arith.constant 1 : i32
      %select_n3A = arith.select %eq3A_119, %jit3A_120, %convert_element_type3A : i32
      %rem3A = arith.remsi %while3A_118, %select_n3A : i32
      %ne3A = arith.constant 0 : i32
      %ne3A_121 = arith.cmpi ne, %rem3A, %ne3A : i32
      %lt3A = arith.constant 0 : i32
      %lt3A_122 = arith.cmpi slt, %rem3A, %lt3A : i32
      %lt3A_123 = arith.constant 0 : i32
      %lt3A_124 = arith.cmpi slt, %select_n3A, %lt3A_123 : i32
      %ne3A_125 = arith.xori %lt3A_122, %lt3A_124 : i1
      %and3A = arith.andi %ne3A_125, %ne3A_121 : i1
      %add3A_126 = arith.addi %rem3A, %select_n3A : i32
      %select_n3A_127 = arith.select %and3A, %add3A_126, %rem3A : i32
      %dma_wait3A = arith.constant 0 : i32
      %dma_wait3A_128 = arith.constant 0 : i32
      %dma_wait3A_129 = tpu.memref_slice %arg8[%select_n3A_127, %dma_wait3A, %dma_wait3A_128] : memref<4x80x128xf32, #tpu.memory_space<vmem>> -> memref<1x80x128xf32, #tpu.memory_space<vmem>>
      %dma_wait3A_130 = tpu.memref_squeeze %dma_wait3A_129 : memref<1x80x128xf32, #tpu.memory_space<vmem>> -> memref<80x128xf32, #tpu.memory_space<vmem>>
      %dma_wait3A_131 = arith.constant 0 : i32
      %dma_wait3A_132 = tpu.memref_slice %arg6[%select_n3A_127, %dma_wait3A_131] : memref<4x80xi32, #tpu.memory_space<vmem>> -> memref<1x80xi32, #tpu.memory_space<vmem>>
      %dma_wait3A_133 = tpu.memref_squeeze %dma_wait3A_132 : memref<1x80xi32, #tpu.memory_space<vmem>> -> memref<80xi32, #tpu.memory_space<vmem>>
      %dma_wait3A_134 = arith.constant 0 : i32
      %dma_wait3A_135 = arith.constant 0 : i32
      %dma_wait3A_136 = tpu.memref_slice %arg2[%dma_wait3A_134, %dma_wait3A_135] : memref<10000x128xf32, #tpu.memory_space<hbm>> -> memref<10000x128xf32, #tpu.memory_space<hbm>>
      tpu.wait_indirect_dma semaphore(%arg10 : memref<!tpu.dma_semaphore, #tpu.memory_space<semaphore_mem>>) src(%dma_wait3A_136 : memref<10000x128xf32, #tpu.memory_space<hbm>>) dst(%dma_wait3A_130 : memref<80x128xf32, #tpu.memory_space<vmem>>)
      "tpu.region"() ({
        %run_scoped3A_151 = tpu.sem_alloc : memref<!tpu.dma_semaphore, #tpu.memory_space<semaphore_mem>>
        %dma_start3A_152 = arith.constant 0 : i32
        %dma_start3A_153 = arith.constant 0 : i32
        %dma_start3A_154 = tpu.memref_slice %arg8[%select_n3A_127, %dma_start3A_152, %dma_start3A_153] : memref<4x80x128xf32, #tpu.memory_space<vmem>> -> memref<1x80x128xf32, #tpu.memory_space<vmem>>
        %dma_start3A_155 = tpu.memref_squeeze %dma_start3A_154 : memref<1x80x128xf32, #tpu.memory_space<vmem>> -> memref<80x128xf32, #tpu.memory_space<vmem>>
        %dma_start3A_156 = arith.constant 0 : i32
        %dma_start3A_157 = tpu.memref_slice %arg7[%select_n3A_127, %dma_start3A_156] : memref<4x80xi32, #tpu.memory_space<vmem>> -> memref<1x80xi32, #tpu.memory_space<vmem>>
        %dma_start3A_158 = tpu.memref_squeeze %dma_start3A_157 : memref<1x80xi32, #tpu.memory_space<vmem>> -> memref<80xi32, #tpu.memory_space<vmem>>
        %dma_start3A_159 = arith.constant 0 : i32
        %dma_start3A_160 = arith.constant 0 : i32
        %dma_start3A_161 = tpu.memref_slice %arg9[%dma_start3A_159, %dma_start3A_160] : memref<10112x128xf32, #tpu.memory_space<vmem_shared>> -> memref<10112x128xf32, #tpu.memory_space<vmem_shared>>
        tpu.enqueue_indirect_dma source(%dma_start3A_155 : memref<80x128xf32, #tpu.memory_space<vmem>>) target(%dma_start3A_161 : memref<10112x128xf32, #tpu.memory_space<vmem_shared>>) offsets(%dma_start3A_158 : memref<80xi32, #tpu.memory_space<vmem>>) semaphore(%run_scoped3A_151 : memref<!tpu.dma_semaphore, #tpu.memory_space<semaphore_mem>>) {add = true}
        %dma_wait3A_162 = arith.constant 0 : i32
        %dma_wait3A_163 = arith.constant 0 : i32
        %dma_wait3A_164 = tpu.memref_slice %arg8[%select_n3A_127, %dma_wait3A_162, %dma_wait3A_163] : memref<4x80x128xf32, #tpu.memory_space<vmem>> -> memref<1x80x128xf32, #tpu.memory_space<vmem>>
        %dma_wait3A_165 = tpu.memref_squeeze %dma_wait3A_164 : memref<1x80x128xf32, #tpu.memory_space<vmem>> -> memref<80x128xf32, #tpu.memory_space<vmem>>
        %dma_wait3A_166 = arith.constant 0 : i32
        %dma_wait3A_167 = tpu.memref_slice %arg7[%select_n3A_127, %dma_wait3A_166] : memref<4x80xi32, #tpu.memory_space<vmem>> -> memref<1x80xi32, #tpu.memory_space<vmem>>
        %dma_wait3A_168 = tpu.memref_squeeze %dma_wait3A_167 : memref<1x80xi32, #tpu.memory_space<vmem>> -> memref<80xi32, #tpu.memory_space<vmem>>
        %dma_wait3A_169 = arith.constant 0 : i32
        %dma_wait3A_170 = arith.constant 0 : i32
        %dma_wait3A_171 = tpu.memref_slice %arg9[%dma_wait3A_169, %dma_wait3A_170] : memref<10112x128xf32, #tpu.memory_space<vmem_shared>> -> memref<10112x128xf32, #tpu.memory_space<vmem_shared>>
        tpu.wait_indirect_dma semaphore(%run_scoped3A_151 : memref<!tpu.dma_semaphore, #tpu.memory_space<semaphore_mem>>) src(%dma_wait3A_165 : memref<80x128xf32, #tpu.memory_space<vmem>>) dst(%dma_wait3A_171 : memref<10112x128xf32, #tpu.memory_space<vmem_shared>>)
        tpu.yield
      }) : () -> ()
      %add3A_137 = arith.constant 4 : i32
      %add3A_138 = arith.addi %while3A_118, %add3A_137 : i32
      %sub3A = arith.constant 1 : i32
      %sub3A_139 = arith.subi %add3A_138, %sub3A : i32
      %lt3A_140 = arith.constant 125 : i32
      %lt3A_141 = arith.cmpi slt, %sub3A_139, %lt3A_140 : i32
      %convert_element_type3A_142 = arith.extui %lt3A_141 : i1 to i32
      %cond3A = arith.constant 0 : i32
      %cond3A_143 = arith.cmpi ne, %convert_element_type3A_142, %cond3A : i32
      scf.if %cond3A_143 {
        %add3A_151 = arith.constant 4 : i32
        %add3A_152 = arith.addi %while3A_118, %add3A_151 : i32
        %sub3A_153 = arith.constant 1 : i32
        %sub3A_154 = arith.subi %add3A_152, %sub3A_153 : i32
        %jit3A_155 = arith.constant 4 : i64
        %convert_element_type3A_156 = arith.trunci %jit3A_155 : i64 to i32
        %eq3A_157 = arith.constant 0 : i32
        %eq3A_158 = arith.cmpi eq, %convert_element_type3A_156, %eq3A_157 : i32
        %jit3A_159 = arith.constant 1 : i32
        %select_n3A_160 = arith.select %eq3A_158, %jit3A_159, %convert_element_type3A_156 : i32
        %rem3A_161 = arith.remsi %sub3A_154, %select_n3A_160 : i32
        %ne3A_162 = arith.constant 0 : i32
        %ne3A_163 = arith.cmpi ne, %rem3A_161, %ne3A_162 : i32
        %lt3A_164 = arith.constant 0 : i32
        %lt3A_165 = arith.cmpi slt, %rem3A_161, %lt3A_164 : i32
        %lt3A_166 = arith.constant 0 : i32
        %lt3A_167 = arith.cmpi slt, %select_n3A_160, %lt3A_166 : i32
        %ne3A_168 = arith.xori %lt3A_165, %lt3A_167 : i1
        %and3A_169 = arith.andi %ne3A_168, %ne3A_163 : i1
        %add3A_170 = arith.addi %rem3A_161, %select_n3A_160 : i32
        %select_n3A_171 = arith.select %and3A_169, %add3A_170, %rem3A_161 : i32
        %add3A_172 = arith.constant 4 : i32
        %add3A_173 = arith.addi %while3A_118, %add3A_172 : i32
        %sub3A_174 = arith.constant 1 : i32
        %sub3A_175 = arith.subi %add3A_173, %sub3A_174 : i32
        %mul3A_176 = arith.constant 80 : i32
        %mul3A_177 = arith.muli %sub3A_175, %mul3A_176 : i32
        %add3A_178 = arith.addi %mul3A_2, %mul3A_177 : i32
        %dma_wait3A_179 = arith.constant 0 : i32
        %dma_wait3A_180 = tpu.memref_slice %arg6[%select_n3A_171, %dma_wait3A_179] : memref<4x80xi32, #tpu.memory_space<vmem>> -> memref<1x80xi32, #tpu.memory_space<vmem>>
        %dma_wait3A_181 = tpu.memref_squeeze %dma_wait3A_180 : memref<1x80xi32, #tpu.memory_space<vmem>> -> memref<80xi32, #tpu.memory_space<vmem>>
        %dma_wait3A_182 = tpu.memref_slice %arg3[%add3A_178] : memref<640000xi32, #tpu.memory_space<hbm>> -> memref<80xi32, #tpu.memory_space<hbm>>
        %dma_wait3A_183 = arith.constant 0 : i32
        %dma_wait3A_184 = tpu.memref_slice %arg6[%select_n3A_171, %dma_wait3A_183] : memref<4x80xi32, #tpu.memory_space<vmem>> -> memref<1x80xi32, #tpu.memory_space<vmem>>
        %dma_wait3A_185 = tpu.memref_squeeze %dma_wait3A_184 : memref<1x80xi32, #tpu.memory_space<vmem>> -> memref<80xi32, #tpu.memory_space<vmem>>
        %dma_wait3A_186 = tpu.memref_slice %arg3[%add3A_178] : memref<640000xi32, #tpu.memory_space<hbm>> -> memref<80xi32, #tpu.memory_space<hbm>>
        tpu.wait_dma2 semaphore(%arg11 : memref<!tpu.dma_semaphore, #tpu.memory_space<semaphore_mem>>) src(%dma_wait3A_186 : memref<80xi32, #tpu.memory_space<hbm>>) dst(%dma_wait3A_185 : memref<80xi32, #tpu.memory_space<vmem>>)
        %add3A_187 = arith.constant 4 : i32
        %add3A_188 = arith.addi %while3A_118, %add3A_187 : i32
        %sub3A_189 = arith.constant 1 : i32
        %sub3A_190 = arith.subi %add3A_188, %sub3A_189 : i32
        %add3A_191 = arith.constant 320000 : i32
        %add3A_192 = arith.addi %add3A_191, %mul3A_2 : i32
        %mul3A_193 = arith.constant 80 : i32
        %mul3A_194 = arith.muli %sub3A_190, %mul3A_193 : i32
        %add3A_195 = arith.addi %add3A_192, %mul3A_194 : i32
        %dma_wait3A_196 = arith.constant 0 : i32
        %dma_wait3A_197 = tpu.memref_slice %arg7[%select_n3A_171, %dma_wait3A_196] : memref<4x80xi32, #tpu.memory_space<vmem>> -> memref<1x80xi32, #tpu.memory_space<vmem>>
        %dma_wait3A_198 = tpu.memref_squeeze %dma_wait3A_197 : memref<1x80xi32, #tpu.memory_space<vmem>> -> memref<80xi32, #tpu.memory_space<vmem>>
        %dma_wait3A_199 = tpu.memref_slice %arg3[%add3A_195] : memref<640000xi32, #tpu.memory_space<hbm>> -> memref<80xi32, #tpu.memory_space<hbm>>
        %dma_wait3A_200 = arith.constant 0 : i32
        %dma_wait3A_201 = tpu.memref_slice %arg7[%select_n3A_171, %dma_wait3A_200] : memref<4x80xi32, #tpu.memory_space<vmem>> -> memref<1x80xi32, #tpu.memory_space<vmem>>
        %dma_wait3A_202 = tpu.memref_squeeze %dma_wait3A_201 : memref<1x80xi32, #tpu.memory_space<vmem>> -> memref<80xi32, #tpu.memory_space<vmem>>
        %dma_wait3A_203 = tpu.memref_slice %arg3[%add3A_195] : memref<640000xi32, #tpu.memory_space<hbm>> -> memref<80xi32, #tpu.memory_space<hbm>>
        tpu.wait_dma2 semaphore(%arg11 : memref<!tpu.dma_semaphore, #tpu.memory_space<semaphore_mem>>) src(%dma_wait3A_203 : memref<80xi32, #tpu.memory_space<hbm>>) dst(%dma_wait3A_202 : memref<80xi32, #tpu.memory_space<vmem>>)
        %dma_start3A_204 = arith.constant 0 : i32
        %dma_start3A_205 = arith.constant 0 : i32
        %dma_start3A_206 = tpu.memref_slice %arg8[%select_n3A_171, %dma_start3A_204, %dma_start3A_205] : memref<4x80x128xf32, #tpu.memory_space<vmem>> -> memref<1x80x128xf32, #tpu.memory_space<vmem>>
        %dma_start3A_207 = tpu.memref_squeeze %dma_start3A_206 : memref<1x80x128xf32, #tpu.memory_space<vmem>> -> memref<80x128xf32, #tpu.memory_space<vmem>>
        %dma_start3A_208 = arith.constant 0 : i32
        %dma_start3A_209 = tpu.memref_slice %arg6[%select_n3A_171, %dma_start3A_208] : memref<4x80xi32, #tpu.memory_space<vmem>> -> memref<1x80xi32, #tpu.memory_space<vmem>>
        %dma_start3A_210 = tpu.memref_squeeze %dma_start3A_209 : memref<1x80xi32, #tpu.memory_space<vmem>> -> memref<80xi32, #tpu.memory_space<vmem>>
        %dma_start3A_211 = arith.constant 0 : i32
        %dma_start3A_212 = arith.constant 0 : i32
        %dma_start3A_213 = tpu.memref_slice %arg2[%dma_start3A_211, %dma_start3A_212] : memref<10000x128xf32, #tpu.memory_space<hbm>> -> memref<10000x128xf32, #tpu.memory_space<hbm>>
        tpu.enqueue_indirect_dma source(%dma_start3A_213 : memref<10000x128xf32, #tpu.memory_space<hbm>>) target(%dma_start3A_207 : memref<80x128xf32, #tpu.memory_space<vmem>>) offsets(%dma_start3A_210 : memref<80xi32, #tpu.memory_space<vmem>>) semaphore(%arg10 : memref<!tpu.dma_semaphore, #tpu.memory_space<semaphore_mem>>)
      } else {
      }
      %add3A_144 = arith.constant 4 : i32
      %add3A_145 = arith.addi %while3A_118, %add3A_144 : i32
      %lt3A_146 = arith.constant 125 : i32
      %lt3A_147 = arith.cmpi slt, %add3A_145, %lt3A_146 : i32
      %convert_element_type3A_148 = arith.extui %lt3A_147 : i1 to i32
      %cond3A_149 = arith.constant 0 : i32
      %cond3A_150 = arith.cmpi ne, %convert_element_type3A_148, %cond3A_149 : i32
      scf.if %cond3A_150 {
        %add3A_151 = arith.constant 4 : i32
        %add3A_152 = arith.addi %while3A_118, %add3A_151 : i32
        %mul3A_153 = arith.constant 80 : i32
        %mul3A_154 = arith.muli %add3A_152, %mul3A_153 : i32
        %add3A_155 = arith.addi %mul3A_2, %mul3A_154 : i32
        %dma_start3A_156 = arith.constant 0 : i32
        %dma_start3A_157 = tpu.memref_slice %arg6[%select_n3A_127, %dma_start3A_156] : memref<4x80xi32, #tpu.memory_space<vmem>> -> memref<1x80xi32, #tpu.memory_space<vmem>>
        %dma_start3A_158 = tpu.memref_squeeze %dma_start3A_157 : memref<1x80xi32, #tpu.memory_space<vmem>> -> memref<80xi32, #tpu.memory_space<vmem>>
        %dma_start3A_159 = tpu.memref_slice %arg3[%add3A_155] : memref<640000xi32, #tpu.memory_space<hbm>> -> memref<80xi32, #tpu.memory_space<hbm>>
        %dma_start3A_160 = arith.constant 0 : i32
        %dma_start3A_161 = tpu.memref_slice %arg6[%select_n3A_127, %dma_start3A_160] : memref<4x80xi32, #tpu.memory_space<vmem>> -> memref<1x80xi32, #tpu.memory_space<vmem>>
        %dma_start3A_162 = tpu.memref_squeeze %dma_start3A_161 : memref<1x80xi32, #tpu.memory_space<vmem>> -> memref<80xi32, #tpu.memory_space<vmem>>
        %dma_start3A_163 = tpu.memref_slice %arg3[%add3A_155] : memref<640000xi32, #tpu.memory_space<hbm>> -> memref<80xi32, #tpu.memory_space<hbm>>
        tpu.enqueue_dma source(%dma_start3A_163 : memref<80xi32, #tpu.memory_space<hbm>>) target(%dma_start3A_162 : memref<80xi32, #tpu.memory_space<vmem>>) target_semaphore(%arg11 : memref<!tpu.dma_semaphore, #tpu.memory_space<semaphore_mem>>)
        %add3A_164 = arith.constant 4 : i32
        %add3A_165 = arith.addi %while3A_118, %add3A_164 : i32
        %add3A_166 = arith.constant 320000 : i32
        %add3A_167 = arith.addi %add3A_166, %mul3A_2 : i32
        %mul3A_168 = arith.constant 80 : i32
        %mul3A_169 = arith.muli %add3A_165, %mul3A_168 : i32
        %add3A_170 = arith.addi %add3A_167, %mul3A_169 : i32
        %dma_start3A_171 = arith.constant 0 : i32
        %dma_start3A_172 = tpu.memref_slice %arg7[%select_n3A_127, %dma_start3A_171] : memref<4x80xi32, #tpu.memory_space<vmem>> -> memref<1x80xi32, #tpu.memory_space<vmem>>
        %dma_start3A_173 = tpu.memref_squeeze %dma_start3A_172 : memref<1x80xi32, #tpu.memory_space<vmem>> -> memref<80xi32, #tpu.memory_space<vmem>>
        %dma_start3A_174 = tpu.memref_slice %arg3[%add3A_170] : memref<640000xi32, #tpu.memory_space<hbm>> -> memref<80xi32, #tpu.memory_space<hbm>>
        %dma_start3A_175 = arith.constant 0 : i32
        %dma_start3A_176 = tpu.memref_slice %arg7[%select_n3A_127, %dma_start3A_175] : memref<4x80xi32, #tpu.memory_space<vmem>> -> memref<1x80xi32, #tpu.memory_space<vmem>>
        %dma_start3A_177 = tpu.memref_squeeze %dma_start3A_176 : memref<1x80xi32, #tpu.memory_space<vmem>> -> memref<80xi32, #tpu.memory_space<vmem>>
        %dma_start3A_178 = tpu.memref_slice %arg3[%add3A_170] : memref<640000xi32, #tpu.memory_space<hbm>> -> memref<80xi32, #tpu.memory_space<hbm>>
        tpu.enqueue_dma source(%dma_start3A_178 : memref<80xi32, #tpu.memory_space<hbm>>) target(%dma_start3A_177 : memref<80xi32, #tpu.memory_space<vmem>>) target_semaphore(%arg11 : memref<!tpu.dma_semaphore, #tpu.memory_space<semaphore_mem>>)
      } else {
      }
    }
    %while3A_112 = arith.constant 1 : i32
    scf.for %while3A_118 = %while3A_110 to %while3A_106 step %while3A_112  : i32 {
      %jit3A = arith.constant 4 : i64
      %convert_element_type3A = arith.trunci %jit3A : i64 to i32
      %eq3A = arith.constant 0 : i32
      %eq3A_119 = arith.cmpi eq, %convert_element_type3A, %eq3A : i32
      %jit3A_120 = arith.constant 1 : i32
      %select_n3A = arith.select %eq3A_119, %jit3A_120, %convert_element_type3A : i32
      %rem3A = arith.remsi %while3A_118, %select_n3A : i32
      %ne3A = arith.constant 0 : i32
      %ne3A_121 = arith.cmpi ne, %rem3A, %ne3A : i32
      %lt3A = arith.constant 0 : i32
      %lt3A_122 = arith.cmpi slt, %rem3A, %lt3A : i32
      %lt3A_123 = arith.constant 0 : i32
      %lt3A_124 = arith.cmpi slt, %select_n3A, %lt3A_123 : i32
      %ne3A_125 = arith.xori %lt3A_122, %lt3A_124 : i1
      %and3A = arith.andi %ne3A_125, %ne3A_121 : i1
      %add3A_126 = arith.addi %rem3A, %select_n3A : i32
      %select_n3A_127 = arith.select %and3A, %add3A_126, %rem3A : i32
      %dma_wait3A = arith.constant 0 : i32
      %dma_wait3A_128 = arith.constant 0 : i32
      %dma_wait3A_129 = tpu.memref_slice %arg8[%select_n3A_127, %dma_wait3A, %dma_wait3A_128] : memref<4x80x128xf32, #tpu.memory_space<vmem>> -> memref<1x80x128xf32, #tpu.memory_space<vmem>>
      %dma_wait3A_130 = tpu.memref_squeeze %dma_wait3A_129 : memref<1x80x128xf32, #tpu.memory_space<vmem>> -> memref<80x128xf32, #tpu.memory_space<vmem>>
      %dma_wait3A_131 = arith.constant 0 : i32
      %dma_wait3A_132 = tpu.memref_slice %arg6[%select_n3A_127, %dma_wait3A_131] : memref<4x80xi32, #tpu.memory_space<vmem>> -> memref<1x80xi32, #tpu.memory_space<vmem>>
      %dma_wait3A_133 = tpu.memref_squeeze %dma_wait3A_132 : memref<1x80xi32, #tpu.memory_space<vmem>> -> memref<80xi32, #tpu.memory_space<vmem>>
      %dma_wait3A_134 = arith.constant 0 : i32
      %dma_wait3A_135 = arith.constant 0 : i32
      %dma_wait3A_136 = tpu.memref_slice %arg2[%dma_wait3A_134, %dma_wait3A_135] : memref<10000x128xf32, #tpu.memory_space<hbm>> -> memref<10000x128xf32, #tpu.memory_space<hbm>>
      tpu.wait_indirect_dma semaphore(%arg10 : memref<!tpu.dma_semaphore, #tpu.memory_space<semaphore_mem>>) src(%dma_wait3A_136 : memref<10000x128xf32, #tpu.memory_space<hbm>>) dst(%dma_wait3A_130 : memref<80x128xf32, #tpu.memory_space<vmem>>)
      "tpu.region"() ({
        %run_scoped3A_151 = tpu.sem_alloc : memref<!tpu.dma_semaphore, #tpu.memory_space<semaphore_mem>>
        %dma_start3A_152 = arith.constant 0 : i32
        %dma_start3A_153 = arith.constant 0 : i32
        %dma_start3A_154 = tpu.memref_slice %arg8[%select_n3A_127, %dma_start3A_152, %dma_start3A_153] : memref<4x80x128xf32, #tpu.memory_space<vmem>> -> memref<1x80x128xf32, #tpu.memory_space<vmem>>
        %dma_start3A_155 = tpu.memref_squeeze %dma_start3A_154 : memref<1x80x128xf32, #tpu.memory_space<vmem>> -> memref<80x128xf32, #tpu.memory_space<vmem>>
        %dma_start3A_156 = arith.constant 0 : i32
        %dma_start3A_157 = tpu.memref_slice %arg7[%select_n3A_127, %dma_start3A_156] : memref<4x80xi32, #tpu.memory_space<vmem>> -> memref<1x80xi32, #tpu.memory_space<vmem>>
        %dma_start3A_158 = tpu.memref_squeeze %dma_start3A_157 : memref<1x80xi32, #tpu.memory_space<vmem>> -> memref<80xi32, #tpu.memory_space<vmem>>
        %dma_start3A_159 = arith.constant 0 : i32
        %dma_start3A_160 = arith.constant 0 : i32
        %dma_start3A_161 = tpu.memref_slice %arg9[%dma_start3A_159, %dma_start3A_160] : memref<10112x128xf32, #tpu.memory_space<vmem_shared>> -> memref<10112x128xf32, #tpu.memory_space<vmem_shared>>
        tpu.enqueue_indirect_dma source(%dma_start3A_155 : memref<80x128xf32, #tpu.memory_space<vmem>>) target(%dma_start3A_161 : memref<10112x128xf32, #tpu.memory_space<vmem_shared>>) offsets(%dma_start3A_158 : memref<80xi32, #tpu.memory_space<vmem>>) semaphore(%run_scoped3A_151 : memref<!tpu.dma_semaphore, #tpu.memory_space<semaphore_mem>>) {add = true}
        %dma_wait3A_162 = arith.constant 0 : i32
        %dma_wait3A_163 = arith.constant 0 : i32
        %dma_wait3A_164 = tpu.memref_slice %arg8[%select_n3A_127, %dma_wait3A_162, %dma_wait3A_163] : memref<4x80x128xf32, #tpu.memory_space<vmem>> -> memref<1x80x128xf32, #tpu.memory_space<vmem>>
        %dma_wait3A_165 = tpu.memref_squeeze %dma_wait3A_164 : memref<1x80x128xf32, #tpu.memory_space<vmem>> -> memref<80x128xf32, #tpu.memory_space<vmem>>
        %dma_wait3A_166 = arith.constant 0 : i32
        %dma_wait3A_167 = tpu.memref_slice %arg7[%select_n3A_127, %dma_wait3A_166] : memref<4x80xi32, #tpu.memory_space<vmem>> -> memref<1x80xi32, #tpu.memory_space<vmem>>
        %dma_wait3A_168 = tpu.memref_squeeze %dma_wait3A_167 : memref<1x80xi32, #tpu.memory_space<vmem>> -> memref<80xi32, #tpu.memory_space<vmem>>
        %dma_wait3A_169 = arith.constant 0 : i32
        %dma_wait3A_170 = arith.constant 0 : i32
        %dma_wait3A_171 = tpu.memref_slice %arg9[%dma_wait3A_169, %dma_wait3A_170] : memref<10112x128xf32, #tpu.memory_space<vmem_shared>> -> memref<10112x128xf32, #tpu.memory_space<vmem_shared>>
        tpu.wait_indirect_dma semaphore(%run_scoped3A_151 : memref<!tpu.dma_semaphore, #tpu.memory_space<semaphore_mem>>) src(%dma_wait3A_165 : memref<80x128xf32, #tpu.memory_space<vmem>>) dst(%dma_wait3A_171 : memref<10112x128xf32, #tpu.memory_space<vmem_shared>>)
        tpu.yield
      }) : () -> ()
      %add3A_137 = arith.constant 4 : i32
      %add3A_138 = arith.addi %while3A_118, %add3A_137 : i32
      %sub3A = arith.constant 1 : i32
      %sub3A_139 = arith.subi %add3A_138, %sub3A : i32
      %lt3A_140 = arith.constant 125 : i32
      %lt3A_141 = arith.cmpi slt, %sub3A_139, %lt3A_140 : i32
      %convert_element_type3A_142 = arith.extui %lt3A_141 : i1 to i32
      %cond3A = arith.constant 0 : i32
      %cond3A_143 = arith.cmpi ne, %convert_element_type3A_142, %cond3A : i32
      scf.if %cond3A_143 {
        %add3A_151 = arith.constant 4 : i32
        %add3A_152 = arith.addi %while3A_118, %add3A_151 : i32
        %sub3A_153 = arith.constant 1 : i32
        %sub3A_154 = arith.subi %add3A_152, %sub3A_153 : i32
        %jit3A_155 = arith.constant 4 : i64
        %convert_element_type3A_156 = arith.trunci %jit3A_155 : i64 to i32
        %eq3A_157 = arith.constant 0 : i32
        %eq3A_158 = arith.cmpi eq, %convert_element_type3A_156, %eq3A_157 : i32
        %jit3A_159 = arith.constant 1 : i32
        %select_n3A_160 = arith.select %eq3A_158, %jit3A_159, %convert_element_type3A_156 : i32
        %rem3A_161 = arith.remsi %sub3A_154, %select_n3A_160 : i32
        %ne3A_162 = arith.constant 0 : i32
        %ne3A_163 = arith.cmpi ne, %rem3A_161, %ne3A_162 : i32
        %lt3A_164 = arith.constant 0 : i32
        %lt3A_165 = arith.cmpi slt, %rem3A_161, %lt3A_164 : i32
        %lt3A_166 = arith.constant 0 : i32
        %lt3A_167 = arith.cmpi slt, %select_n3A_160, %lt3A_166 : i32
        %ne3A_168 = arith.xori %lt3A_165, %lt3A_167 : i1
        %and3A_169 = arith.andi %ne3A_168, %ne3A_163 : i1
        %add3A_170 = arith.addi %rem3A_161, %select_n3A_160 : i32
        %select_n3A_171 = arith.select %and3A_169, %add3A_170, %rem3A_161 : i32
        %add3A_172 = arith.constant 4 : i32
        %add3A_173 = arith.addi %while3A_118, %add3A_172 : i32
        %sub3A_174 = arith.constant 1 : i32
        %sub3A_175 = arith.subi %add3A_173, %sub3A_174 : i32
        %mul3A_176 = arith.constant 80 : i32
        %mul3A_177 = arith.muli %sub3A_175, %mul3A_176 : i32
        %add3A_178 = arith.addi %mul3A_2, %mul3A_177 : i32
        %dma_wait3A_179 = arith.constant 0 : i32
        %dma_wait3A_180 = tpu.memref_slice %arg6[%select_n3A_171, %dma_wait3A_179] : memref<4x80xi32, #tpu.memory_space<vmem>> -> memref<1x80xi32, #tpu.memory_space<vmem>>
        %dma_wait3A_181 = tpu.memref_squeeze %dma_wait3A_180 : memref<1x80xi32, #tpu.memory_space<vmem>> -> memref<80xi32, #tpu.memory_space<vmem>>
        %dma_wait3A_182 = tpu.memref_slice %arg3[%add3A_178] : memref<640000xi32, #tpu.memory_space<hbm>> -> memref<80xi32, #tpu.memory_space<hbm>>
        %dma_wait3A_183 = arith.constant 0 : i32
        %dma_wait3A_184 = tpu.memref_slice %arg6[%select_n3A_171, %dma_wait3A_183] : memref<4x80xi32, #tpu.memory_space<vmem>> -> memref<1x80xi32, #tpu.memory_space<vmem>>
        %dma_wait3A_185 = tpu.memref_squeeze %dma_wait3A_184 : memref<1x80xi32, #tpu.memory_space<vmem>> -> memref<80xi32, #tpu.memory_space<vmem>>
        %dma_wait3A_186 = tpu.memref_slice %arg3[%add3A_178] : memref<640000xi32, #tpu.memory_space<hbm>> -> memref<80xi32, #tpu.memory_space<hbm>>
        tpu.wait_dma2 semaphore(%arg11 : memref<!tpu.dma_semaphore, #tpu.memory_space<semaphore_mem>>) src(%dma_wait3A_186 : memref<80xi32, #tpu.memory_space<hbm>>) dst(%dma_wait3A_185 : memref<80xi32, #tpu.memory_space<vmem>>)
        %add3A_187 = arith.constant 4 : i32
        %add3A_188 = arith.addi %while3A_118, %add3A_187 : i32
        %sub3A_189 = arith.constant 1 : i32
        %sub3A_190 = arith.subi %add3A_188, %sub3A_189 : i32
        %add3A_191 = arith.constant 320000 : i32
        %add3A_192 = arith.addi %add3A_191, %mul3A_2 : i32
        %mul3A_193 = arith.constant 80 : i32
        %mul3A_194 = arith.muli %sub3A_190, %mul3A_193 : i32
        %add3A_195 = arith.addi %add3A_192, %mul3A_194 : i32
        %dma_wait3A_196 = arith.constant 0 : i32
        %dma_wait3A_197 = tpu.memref_slice %arg7[%select_n3A_171, %dma_wait3A_196] : memref<4x80xi32, #tpu.memory_space<vmem>> -> memref<1x80xi32, #tpu.memory_space<vmem>>
        %dma_wait3A_198 = tpu.memref_squeeze %dma_wait3A_197 : memref<1x80xi32, #tpu.memory_space<vmem>> -> memref<80xi32, #tpu.memory_space<vmem>>
        %dma_wait3A_199 = tpu.memref_slice %arg3[%add3A_195] : memref<640000xi32, #tpu.memory_space<hbm>> -> memref<80xi32, #tpu.memory_space<hbm>>
        %dma_wait3A_200 = arith.constant 0 : i32
        %dma_wait3A_201 = tpu.memref_slice %arg7[%select_n3A_171, %dma_wait3A_200] : memref<4x80xi32, #tpu.memory_space<vmem>> -> memref<1x80xi32, #tpu.memory_space<vmem>>
        %dma_wait3A_202 = tpu.memref_squeeze %dma_wait3A_201 : memref<1x80xi32, #tpu.memory_space<vmem>> -> memref<80xi32, #tpu.memory_space<vmem>>
        %dma_wait3A_203 = tpu.memref_slice %arg3[%add3A_195] : memref<640000xi32, #tpu.memory_space<hbm>> -> memref<80xi32, #tpu.memory_space<hbm>>
        tpu.wait_dma2 semaphore(%arg11 : memref<!tpu.dma_semaphore, #tpu.memory_space<semaphore_mem>>) src(%dma_wait3A_203 : memref<80xi32, #tpu.memory_space<hbm>>) dst(%dma_wait3A_202 : memref<80xi32, #tpu.memory_space<vmem>>)
        %dma_start3A_204 = arith.constant 0 : i32
        %dma_start3A_205 = arith.constant 0 : i32
        %dma_start3A_206 = tpu.memref_slice %arg8[%select_n3A_171, %dma_start3A_204, %dma_start3A_205] : memref<4x80x128xf32, #tpu.memory_space<vmem>> -> memref<1x80x128xf32, #tpu.memory_space<vmem>>
        %dma_start3A_207 = tpu.memref_squeeze %dma_start3A_206 : memref<1x80x128xf32, #tpu.memory_space<vmem>> -> memref<80x128xf32, #tpu.memory_space<vmem>>
        %dma_start3A_208 = arith.constant 0 : i32
        %dma_start3A_209 = tpu.memref_slice %arg6[%select_n3A_171, %dma_start3A_208] : memref<4x80xi32, #tpu.memory_space<vmem>> -> memref<1x80xi32, #tpu.memory_space<vmem>>
        %dma_start3A_210 = tpu.memref_squeeze %dma_start3A_209 : memref<1x80xi32, #tpu.memory_space<vmem>> -> memref<80xi32, #tpu.memory_space<vmem>>
        %dma_start3A_211 = arith.constant 0 : i32
        %dma_start3A_212 = arith.constant 0 : i32
        %dma_start3A_213 = tpu.memref_slice %arg2[%dma_start3A_211, %dma_start3A_212] : memref<10000x128xf32, #tpu.memory_space<hbm>> -> memref<10000x128xf32, #tpu.memory_space<hbm>>
        tpu.enqueue_indirect_dma source(%dma_start3A_213 : memref<10000x128xf32, #tpu.memory_space<hbm>>) target(%dma_start3A_207 : memref<80x128xf32, #tpu.memory_space<vmem>>) offsets(%dma_start3A_210 : memref<80xi32, #tpu.memory_space<vmem>>) semaphore(%arg10 : memref<!tpu.dma_semaphore, #tpu.memory_space<semaphore_mem>>)
      } else {
      }
      %add3A_144 = arith.constant 4 : i32
      %add3A_145 = arith.addi %while3A_118, %add3A_144 : i32
      %lt3A_146 = arith.constant 125 : i32
      %lt3A_147 = arith.cmpi slt, %add3A_145, %lt3A_146 : i32
      %convert_element_type3A_148 = arith.extui %lt3A_147 : i1 to i32
      %cond3A_149 = arith.constant 0 : i32
      %cond3A_150 = arith.cmpi ne, %convert_element_type3A_148, %cond3A_149 : i32
      scf.if %cond3A_150 {
        %add3A_151 = arith.constant 4 : i32
        %add3A_152 = arith.addi %while3A_118, %add3A_151 : i32
        %mul3A_153 = arith.constant 80 : i32
        %mul3A_154 = arith.muli %add3A_152, %mul3A_153 : i32
        %add3A_155 = arith.addi %mul3A_2, %mul3A_154 : i32
        %dma_start3A_156 = arith.constant 0 : i32
        %dma_start3A_157 = tpu.memref_slice %arg6[%select_n3A_127, %dma_start3A_156] : memref<4x80xi32, #tpu.memory_space<vmem>> -> memref<1x80xi32, #tpu.memory_space<vmem>>
        %dma_start3A_158 = tpu.memref_squeeze %dma_start3A_157 : memref<1x80xi32, #tpu.memory_space<vmem>> -> memref<80xi32, #tpu.memory_space<vmem>>
        %dma_start3A_159 = tpu.memref_slice %arg3[%add3A_155] : memref<640000xi32, #tpu.memory_space<hbm>> -> memref<80xi32, #tpu.memory_space<hbm>>
        %dma_start3A_160 = arith.constant 0 : i32
        %dma_start3A_161 = tpu.memref_slice %arg6[%select_n3A_127, %dma_start3A_160] : memref<4x80xi32, #tpu.memory_space<vmem>> -> memref<1x80xi32, #tpu.memory_space<vmem>>
        %dma_start3A_162 = tpu.memref_squeeze %dma_start3A_161 : memref<1x80xi32, #tpu.memory_space<vmem>> -> memref<80xi32, #tpu.memory_space<vmem>>
        %dma_start3A_163 = tpu.memref_slice %arg3[%add3A_155] : memref<640000xi32, #tpu.memory_space<hbm>> -> memref<80xi32, #tpu.memory_space<hbm>>
        tpu.enqueue_dma source(%dma_start3A_163 : memref<80xi32, #tpu.memory_space<hbm>>) target(%dma_start3A_162 : memref<80xi32, #tpu.memory_space<vmem>>) target_semaphore(%arg11 : memref<!tpu.dma_semaphore, #tpu.memory_space<semaphore_mem>>)
        %add3A_164 = arith.constant 4 : i32
        %add3A_165 = arith.addi %while3A_118, %add3A_164 : i32
        %add3A_166 = arith.constant 320000 : i32
        %add3A_167 = arith.addi %add3A_166, %mul3A_2 : i32
        %mul3A_168 = arith.constant 80 : i32
        %mul3A_169 = arith.muli %add3A_165, %mul3A_168 : i32
        %add3A_170 = arith.addi %add3A_167, %mul3A_169 : i32
        %dma_start3A_171 = arith.constant 0 : i32
        %dma_start3A_172 = tpu.memref_slice %arg7[%select_n3A_127, %dma_start3A_171] : memref<4x80xi32, #tpu.memory_space<vmem>> -> memref<1x80xi32, #tpu.memory_space<vmem>>
        %dma_start3A_173 = tpu.memref_squeeze %dma_start3A_172 : memref<1x80xi32, #tpu.memory_space<vmem>> -> memref<80xi32, #tpu.memory_space<vmem>>
        %dma_start3A_174 = tpu.memref_slice %arg3[%add3A_170] : memref<640000xi32, #tpu.memory_space<hbm>> -> memref<80xi32, #tpu.memory_space<hbm>>
        %dma_start3A_175 = arith.constant 0 : i32
        %dma_start3A_176 = tpu.memref_slice %arg7[%select_n3A_127, %dma_start3A_175] : memref<4x80xi32, #tpu.memory_space<vmem>> -> memref<1x80xi32, #tpu.memory_space<vmem>>
        %dma_start3A_177 = tpu.memref_squeeze %dma_start3A_176 : memref<1x80xi32, #tpu.memory_space<vmem>> -> memref<80xi32, #tpu.memory_space<vmem>>
        %dma_start3A_178 = tpu.memref_slice %arg3[%add3A_170] : memref<640000xi32, #tpu.memory_space<hbm>> -> memref<80xi32, #tpu.memory_space<hbm>>
        tpu.enqueue_dma source(%dma_start3A_178 : memref<80xi32, #tpu.memory_space<hbm>>) target(%dma_start3A_177 : memref<80xi32, #tpu.memory_space<vmem>>) target_semaphore(%arg11 : memref<!tpu.dma_semaphore, #tpu.memory_space<semaphore_mem>>)
      } else {
      }
    }
    %barrier3A_113 = arith.constant 0 : index
    tpu.barrier barrier_id(%barrier3A_113)
    %mul3A_114 = arith.constant 632 : i32
    %mul3A_115 = arith.muli %arg1, %mul3A_114 : i32
    %mul3A_116 = arith.constant 632 : i32
    %mul3A_117 = arith.muli %arg1, %mul3A_116 : i32
    "tpu.region"() ({
      %run_scoped3A_118 = tpu.sem_alloc : memref<!tpu.dma_semaphore, #tpu.memory_space<semaphore_mem>>
      %dma_start3A_119 = arith.constant 0 : i32
      %dma_start3A_120 = tpu.memref_slice %arg5[%arg0, %mul3A_117, %dma_start3A_119] : memref<2x10112x128xf32, #tpu.memory_space<hbm>> -> memref<1x632x128xf32, #tpu.memory_space<hbm>>
      %dma_start3A_121 = tpu.memref_squeeze %dma_start3A_120 : memref<1x632x128xf32, #tpu.memory_space<hbm>> -> memref<632x128xf32, #tpu.memory_space<hbm>>
      %dma_start3A_122 = arith.constant 0 : i32
      %dma_start3A_123 = tpu.memref_slice %arg9[%mul3A_115, %dma_start3A_122] : memref<10112x128xf32, #tpu.memory_space<vmem_shared>> -> memref<632x128xf32, #tpu.memory_space<vmem_shared>>
      tpu.enqueue_dma source(%dma_start3A_123 : memref<632x128xf32, #tpu.memory_space<vmem_shared>>) target(%dma_start3A_121 : memref<632x128xf32, #tpu.memory_space<hbm>>) target_semaphore(%run_scoped3A_118 : memref<!tpu.dma_semaphore, #tpu.memory_space<semaphore_mem>>)
      %dma_wait3A = arith.constant 0 : i32
      %dma_wait3A_124 = tpu.memref_slice %arg5[%arg0, %mul3A_117, %dma_wait3A] : memref<2x10112x128xf32, #tpu.memory_space<hbm>> -> memref<1x632x128xf32, #tpu.memory_space<hbm>>
      %dma_wait3A_125 = tpu.memref_squeeze %dma_wait3A_124 : memref<1x632x128xf32, #tpu.memory_space<hbm>> -> memref<632x128xf32, #tpu.memory_space<hbm>>
      %dma_wait3A_126 = arith.constant 0 : i32
      %dma_wait3A_127 = tpu.memref_slice %arg9[%mul3A_115, %dma_wait3A_126] : memref<10112x128xf32, #tpu.memory_space<vmem_shared>> -> memref<632x128xf32, #tpu.memory_space<vmem_shared>>
      tpu.wait_dma2 semaphore(%run_scoped3A_118 : memref<!tpu.dma_semaphore, #tpu.memory_space<semaphore_mem>>) src(%dma_wait3A_127 : memref<632x128xf32, #tpu.memory_space<vmem_shared>>) dst(%dma_wait3A_125 : memref<632x128xf32, #tpu.memory_space<hbm>>)
      tpu.yield
    }) : () -> ()
    return
  }
}

module attributes {stable_mosaic.version = 14 : i64} {
  func.func @_mmc_body(%arg0: i32, %arg1: memref<2x1000x128xf32, #tpu.memory_space<vmem>>, %arg2: memref<128x128xf32, #tpu.memory_space<vmem>>, %arg3: memref<1x128xf32, #tpu.memory_space<vmem>>, %arg4: memref<1000x128xf32, #tpu.memory_space<vmem>>) attributes {dimension_semantics = [#tpu.dimension_semantics<arbitrary>], iteration_bounds = array<i64: 10>, scalar_prefetch = 0 : i64, scratch_operands = 0 : i64, tpu.core_type = #tpu.core_type<tc>, window_params = [{transform_indices = @transform_0, window_bounds = array<i64: 2, 1000, 128>}, {pipeline_mode = #tpu.pipeline_mode<synchronous>, transform_indices = @transform_1, window_bounds = array<i64: 128, 128>}, {pipeline_mode = #tpu.pipeline_mode<synchronous>, transform_indices = @transform_2, window_bounds = array<i64: 1, 128>}, {transform_indices = @transform_3, window_bounds = array<i64: 1000, 128>}]} {
    %get3A = arith.constant 0 : index
    %get3A_0 = arith.constant 0 : index
    %get3A_1 = arith.constant 0 : index
    %get3A_2 = vector.load %arg1[%get3A, %get3A_0, %get3A_1] : memref<2x1000x128xf32, #tpu.memory_space<vmem>>, vector<1x1000x128xf32>
    %get3A_3 = vector.shape_cast %get3A_2 : vector<1x1000x128xf32> to vector<1000x128xf32>
    %get3A_4 = arith.constant 1 : index
    %get3A_5 = arith.constant 0 : index
    %get3A_6 = arith.constant 0 : index
    %get3A_7 = vector.load %arg1[%get3A_4, %get3A_5, %get3A_6] : memref<2x1000x128xf32, #tpu.memory_space<vmem>>, vector<1x1000x128xf32>
    %get3A_8 = vector.shape_cast %get3A_7 : vector<1x1000x128xf32> to vector<1000x128xf32>
    %add3A = arith.addf %get3A_3, %get3A_8 : vector<1000x128xf32>
    %get3A_9 = arith.constant 0 : index
    %get3A_10 = arith.constant 0 : index
    %get3A_11 = vector.load %arg2[%get3A_9, %get3A_10] : memref<128x128xf32, #tpu.memory_space<vmem>>, vector<128x128xf32>
    %dot_general3A = arith.constant dense<0.000000e+00> : vector<1000x128xf32>
    %dot_general3A_12 = tpu.matmul %add3A, %get3A_11, %dot_general3A {dimension_numbers = #tpu.dot_dimension_numbers<[1], [0], [0], [1], [0, 0, 1, 1], [], []>, transpose_lhs_hint = false} : vector<1000x128xf32>, vector<128x128xf32>, vector<1000x128xf32> -> vector<1000x128xf32>
    %get3A_13 = arith.constant 0 : index
    %get3A_14 = arith.constant 0 : index
    %get3A_15 = vector.load %arg3[%get3A_13, %get3A_14] : memref<1x128xf32, #tpu.memory_space<vmem>>, vector<1x128xf32>
    %add3A_16 = vector.broadcast %get3A_15 : vector<1x128xf32> to vector<1000x128xf32>
    %add3A_17 = arith.addf %dot_general3A_12, %add3A_16 : vector<1000x128xf32>
    %swap3A = arith.constant 0 : index
    %swap3A_18 = arith.constant 0 : index
    %swap3A_19 = vector.load %arg4[%swap3A, %swap3A_18] : memref<1000x128xf32, #tpu.memory_space<vmem>>, vector<1000x128xf32>
    tpu.vector_store %arg4[%swap3A, %swap3A_18], %add3A_17 {strides = array<i32>} : memref<1000x128xf32, #tpu.memory_space<vmem>>, vector<1000x128xf32>,
    return
  }
  func.func @transform_0(%arg0: i32) -> (i32, i32, i32) {
    %c0_i32 = arith.constant 0 : i32
    %c0_i32_0 = arith.constant 0 : i32
    %c0_i32_1 = arith.constant 0 : i32
    return %c0_i32, %arg0, %c0_i32_0 : i32, i32, i32
  }
  func.func @transform_1(%arg0: i32) -> (i32, i32) {
    %c0_i32 = arith.constant 0 : i32
    %c0_i32_0 = arith.constant 0 : i32
    %c0_i32_1 = arith.constant 0 : i32
    return %c0_i32, %c0_i32_0 : i32, i32
  }
  func.func @transform_2(%arg0: i32) -> (i32, i32) {
    %c0_i32 = arith.constant 0 : i32
    %c0_i32_0 = arith.constant 0 : i32
    %c0_i32_1 = arith.constant 0 : i32
    return %c0_i32, %c0_i32_0 : i32, i32
  }
  func.func @transform_3(%arg0: i32) -> (i32, i32) {
    %c0_i32 = arith.constant 0 : i32
    %c0_i32_0 = arith.constant 0 : i32
    return %arg0, %c0_i32 : i32, i32
  }
}

</mosaic_0001>

<sc_bundles>
// kernel: kernel.4.cloned.1.call-start
scs
__scs_entry_jumppad:
0x0: {  	(pc) =	sbr.rel $0x88, $3  }
0x1: {  	(tag) =	ssettag $0x0;
	lr =	simm.s32 $0x1  }
0x2: {  	[smem:$0x3F9D] =	sst lr;
	_ =	strace $0xD0000000  }
0x3: {  	_ = 	snop  }
0x4: {  	_ = 	snop  }
0x5: {  	_ = 	snop  }
0x6: {  	_ = 	snop  }
0x7: {  	_ = 	snop  }
__scs_overlays_trampoline_lowered:
0x8: {  	[smem:$0x3FAC] =	sst s0  }
0x9: {  	[smem:$0x3FAD] =	sst s1  }
0xa: {  	[smem:$0x3FAE] =	sst s2  }
0xb: {  	[smem:$0x3FAF] =	sst s3  }
0xc: {  	[smem:$0x3FB0] =	sst s4  }
0xd: {  	[smem:$0x3FB1] =	sst s5  }
0xe: {  	[smem:$0x3FB2] =	sst s6  }
0xf: {  	[smem:$0x3FB3] =	sst s7  }
0x10: {  	[smem:$0x3FB4] =	sst s8  }
0x11: {  	[smem:$0x3FB5] =	sst s9;
	s0 =	simm.s32 @!p0 $0x0  }
0x12: {  	s1 =	sld [smem:$0x3F9B];
	s0 =	simm.s32 @p0 $0x1  }
0x13: {  	[smem:$0x3FB6] =	sst s0;
	s0 =	simm.s32 @!p1 $0x0  }
0x14: {  	s2 =	sld [smem:$0x3F9A];
	s0 =	simm.s32 @p1 $0x1  }
0x15: {  	[smem:$0x3FB7] =	sst s0;
	s0 =	simm.s32 @!p2 $0x0  }
0x16: {  	s3 =	sld [smem:$0x3FDB];
	s0 =	simm.s32 @p2 $0x1  }
0x17: {  	s4 =	simm.s32 $0x1BF5;
	[smem:$0x3FB9] =	sst s0  }
0x18: {  	s0 =	sld [smem:$0x3F9C];
	_ =	swait.ge [sflag:s4], $0x0  }
0x19: {  	s7 =	sld [smem:$0x3F9D]  }
0x1a: {  	s8 =	sadd.s32 $0xFFFFE003, lr  }
0x1b: {  	s9 =	sadd.s32 $0xFFFFFEF7, lr;
	s5 =	simm.s32 $0xFFFFFFFF;
	p2 =	slt.u32 s8, $0xFFFFF086  }
0x1c: {  	p1 =	slt.u32 s9, $0xF7A;
	s5 =	simm.s32 @!p2 $0x0  }
0x1d: {  	s5 =	simm.s32 @p1 $0x1;
	p0 =	seq.s32 s7, s2  }
0x1e: {  	s7 =	smul.u32 @!p0 $0xF7A, s2;
	p2 =	seq.s32 @!p0 s5, $0x0  }
0x1f: {  	s9 =	smul.u32 $0xF7A, s1;
	s8 =	simm.s32 @!p0 $0x1BF5;
	p2 =	por !p2, p0  }
0x20: {  	[sflag:s8] =	ssyncset.s32 @!p0 $0xFFFFF086;
	s6 =	sadd.s32 @!p0 s3, s7;
	s7 =	simm.s32 @!p0 $0x108  }
0x21: {  	s3 =	sadd.s32 s3, s9;
	s6 =	sadd.s32 @!p0 $0x88, s6;
	s7 =	simm.s32 @p2 $0x1082  }
0x22: {  	[simem:s7], [sflag:s8] =	dma.local @!p0 [hbm:s6], $0xF7A  }
0x23: {  	s9 =	sor.u32 $0xD0000000, s2;
	s6 =	simm.s32 $0x108;
	_ =	swait.ge @!p0 [sflag:s8], $0x0  }
0x24: {  	s3 =	sadd.s32 $0x88, s3;
	s6 =	simm.s32 @!p1 $0x1082;
	[sflag:s4] =	ssyncset.s32 $0xFFFFF086  }
0x25: {  	[simem:s6], [sflag:s4] =	dma.local [hbm:s3], $0xF7A  }
0x26: {  	[smem:$0x3F9D] =	sst s1;
	(tag) =	ssettag s2;
	_ =	strace s9  }
0x27: {  	s1 =	sld [smem:$0x3FAD]  }
0x28: {  	s2 =	sld [smem:$0x3FAE]  }
0x29: {  	s4 =	sld [smem:$0x3FB0]  }
0x2a: {  	p0 =	seq.s32 s5, $0x0;
	s5 =	sld [smem:$0x3FB1]  }
0x2b: {  	s6 =	sld [smem:$0x3FB2]  }
0x2c: {  	s7 =	sld [smem:$0x3FB3]  }
0x2d: {  	s3 =	simm.s32 $0x108;
	s8 =	sld [smem:$0x3FB4]  }
0x2e: {  	s3 =	simm.s32 @!p0 $0x1082;
	s9 =	sld [smem:$0x3FB5]  }
0x2f: {  	lr =	sadd.s32 s0, s3;
	s0 =	sld [smem:$0x3FAC]  }
0x30: {  	s3 =	sld [smem:$0x3FAF]  }
0x31: {  	[smem:$0x3FB8] =	sst s10  }
0x32: {  	s10 =	sld [smem:$0x3FB6];
	_ =	sdelay $0x3  }
0x33: {  	p0 =	seq.s32 s10, $0x1;
	s10 =	sld [smem:$0x3FB8];
	_ =	sdelay $0x3  }
0x34: {  	[smem:$0x3FB8] =	sst s10  }
0x35: {  	s10 =	sld [smem:$0x3FB7];
	_ =	sdelay $0x3  }
0x36: {  	p1 =	seq.s32 s10, $0x1;
	s10 =	sld [smem:$0x3FB8];
	_ =	sdelay $0x3  }
0x37: {  	[smem:$0x3FB8] =	sst s10  }
0x38: {  	s10 =	sld [smem:$0x3FB9]  }
0x39: {  	_ = 	snop;
	(pc) =	sbr.ind lr, $3  }
0x3a: {  	_ = 	snop  }
0x3b: {  	_ = 	snop  }
0x3c: {  	p2 =	seq.s32 s10, $0x1;
	s10 =	sld [smem:$0x3FB8]  }
0x3d: {  	_ =	shalt  }
0x3e: {  	_ =	shalt  }
0x3f: {  	_ =	shalt  }
0x40: {  	_ =	shalt  }
0x41: {  	_ =	shalt  }
0x42: {  	_ =	shalt  }
0x43: {  	_ =	shalt  }
0x44: {  	_ =	shalt  }
0x45: {  	_ =	shalt  }
0x46: {  	_ =	shalt  }
0x47: {  	_ =	shalt  }
0x48: {  	_ =	shalt  }
0x49: {  	_ =	shalt  }
0x4a: {  	_ =	shalt  }
0x4b: {  	_ =	shalt  }
0x4c: {  	_ =	shalt  }
0x4d: {  	_ =	shalt  }
0x4e: {  	_ =	shalt  }
0x4f: {  	_ =	shalt  }
0x50: {  	_ =	shalt  }
0x51: {  	_ =	shalt  }
0x52: {  	_ =	shalt  }
0x53: {  	_ =	shalt  }
0x54: {  	_ =	shalt  }
0x55: {  	_ =	shalt  }
0x56: {  	_ =	shalt  }
0x57: {  	_ =	shalt  }
0x58: {  	_ =	shalt  }
0x59: {  	_ =	shalt  }
0x5a: {  	_ =	shalt  }
0x5b: {  	_ =	shalt  }
0x5c: {  	_ =	shalt  }
0x5d: {  	_ =	shalt  }
0x5e: {  	_ =	shalt  }
0x5f: {  	_ =	shalt  }
0x60: {  	_ =	shalt  }
0x61: {  	_ =	shalt  }
0x62: {  	_ =	shalt  }
0x63: {  	_ =	shalt  }
0x64: {  	_ =	shalt  }
0x65: {  	_ =	shalt  }
0x66: {  	_ =	shalt  }
0x67: {  	_ =	shalt  }
0x68: {  	_ =	shalt  }
0x69: {  	_ =	shalt  }
0x6a: {  	_ =	shalt  }
0x6b: {  	_ =	shalt  }
0x6c: {  	_ =	shalt  }
0x6d: {  	_ =	shalt  }
0x6e: {  	_ =	shalt  }
0x6f: {  	_ =	shalt  }
0x70: {  	_ =	shalt  }
0x71: {  	_ =	shalt  }
0x72: {  	_ =	shalt  }
0x73: {  	_ =	shalt  }
0x74: {  	_ =	shalt  }
0x75: {  	_ =	shalt  }
0x76: {  	_ =	shalt  }
0x77: {  	_ =	shalt  }
0x78: {  	_ =	shalt  }
0x79: {  	_ =	shalt  }
0x7a: {  	_ =	shalt  }
0x7b: {  	_ =	shalt  }
0x7c: {  	_ =	shalt  }
0x7d: {  	_ =	shalt  }
0x7e: {  	_ =	shalt  }
0x7f: {  	_ =	shalt  }
0x80: {  	_ =	shalt  }
0x81: {  	_ =	shalt  }
0x82: {  	_ =	shalt  }
0x83: {  	_ =	shalt  }
0x84: {  	_ =	shalt  }
0x85: {  	_ =	shalt  }
0x86: {  	_ =	shalt  }
0x87: {  	_ =	shalt  }
.Lfunc_end0:
.L_simem_size_0:
called_computation_lowered:
.L_overlay_start_0:
0x88: {  	s2 =	sld [smem:$0x3FD9]  }
0x89: {  	s3 =	sld [smem:$0x3FFE];
	_ =	sdelay $0x1  }
0x8a: {  	s1 =	srdreg.scid  }
0x8b: {  	s0 =	sand.u32 $0x1, s1  }
0x8c: {  	s17 =	sshll.u32 s0, $0xA;
	s2 =	sadd.s32 s3, s2  }
0x8d: {  	s2 =	sadd.s32 s2, s17  }
0x8e: {  	[smem:$0x3FC4] =	sst s2  }
0x8f: {  	_ = 	snop  }
0x90: {  	s2 =	sld [smem:$0x3FC9]  }
0x91: {  	s18 =	sld [smem:$0x3FD0];
	(tm) =	ssettm $0x1  }
0x92: {  	s4 =	sld [smem:$0x3FFB];
	_ =	sdelay $0x3  }
0x93: {  	_ =	strace s4  }
0x94: {  	s4 =	sld [smem:$0x3FFC];
	_ =	sdelay $0x3  }
0x95: {  	_ =	strace s4  }
0x96: {  	s4 =	sld [smem:$0x3FFD];
	_ =	sdelay $0x3  }
0x97: {  	_ =	strace s4  }
0x98: {  	_ =	strace $0x8FFFFFFF  }
0x99: {  	s19 =	sld [smem:$0x3FDB];
	_ =	sdelay $0x1  }
0x9a: {  	s5 =	simm.s32 $_scs_section_size  }
0x9b: {  	s6 =	simm.s32 $_size__tile_overlayer_lowered;
	s7 =	simm.s32 $_tile_overlayer_lowered  }
0x9c: {  	s22 =	simm.s32 $0x1BFF;
	s21 =	sshll.u32 s7, $0x1;
	s4 =	sadd.s32 s5, s19  }
0x9d: {  	s8 =	simm.s32 $0x0;
	s20 =	sshll.u32 s6, $0x1;
	s6 =	sadd.s32 s21, s4  }
0x9e: {  	[timem:s8], [sflag:s22] =	dma.local [hbm:s6], s20  }
0x9f: {  	_ =	swait.ge [sflag:s22], s20  }
0xa0: {  	s5 =	ssub.s32 $0x0, s20;
	[sflag:s22] =	ssyncset.done $0x0  }
0xa1: {  	[sflag:s22] =	ssyncadd.s32 s5;
	_ =	sdelay $0x1  }
0xa2: {  	s23 =	simm.s32 $0x1B8B  }
0xa3: {  	_ =	swait.ge [sflag:s23], $0x1  }
0xa4: {  	[sflag:s23] =	ssyncset.done $0x0  }
0xa5: {  	s25 =	simm.s32 $0x1B8E;
	s24 =	sld [smem:$0x3FFE];
	[sflag:s23] =	ssyncadd.s32 $0xFFFFFFFF  }
0xa6: {  	s26 =	simm.s32 $execute0_lowered;
	[smem:$0x3FD2] =	sst s25  }
0xa7: {  	s6 =	sshll.u32 s26, $0x1;
	_ =	strace $0x80000046;
	[dreg:$0x1] =	wrdreg $0xFFFFFFFF  }
0xa8: {  	s28 =	simm.s32 $_size_execute0_lowered;
	s4 =	sadd.s32 s4, s6;
	[dreg:$0x0] =	wrdreg $0x0  }
0xa9: {  	s6 =	sshll.u32 s28, $0x1;
	[dreg:$0x2] =	wrdreg s4  }
0xaa: {  	[dreg:$0x3] =	wrdreg s6  }
0xab: {  	[dreg:$0x4] =	wrdreg $0xC0  }
0xac: {  	_ =	task [dreg:s8], $0x5FFFF  }
0xad: {  	[dreg:$0x1] =	wrdreg $0xFFFFFFFF  }
0xae: {  	[dreg:$0x0] =	wrdreg $0x60  }
0xaf: {  	[dreg:$0x2] =	wrdreg s2  }
0xb0: {  	[dreg:$0x3] =	wrdreg s18  }
0xb1: {  	[dreg:$0x4] =	wrdreg s24  }
0xb2: {  	[dreg:$0x5] =	wrdreg $0xA4000  }
0xb3: {  	[dreg:$0x6] =	wrdreg $0x9  }
0xb4: {  	_ =	task.clear_ibuf [dreg:s8], $0x7FFFF;
	_ =	strace $0x90000046  }
0xb5: {  	s29 =	simm.s32 $0x9;
	_ =	strace $0x80000048  }
0xb6: {  	_ =	swait.ge [sflag:s29], $0x1  }
0xb7: {  	[sflag:s29] =	ssyncadd.s32 $0xFFFFFFFF  }
0xb8: {  	_ =	strace $0x90000048  }
0xb9: {  	_ =	sfence  }
0xba: {  	s30 =	sld [smem:$0x0];
	_ =	sdelay $0x2  }
0xbb: {  	s31 =	sshll.u32 s1, $0xD;
	s1 =	sshrl.u32 s1, $0x2  }
0xbc: {  	s3 =	sand.u32 $0x4000, s31;
	s1 =	sadd.s32 s1, s30  }
0xbd: {  	s0 =	sor.u32 s3, s0;
	s1 =	sshll.u32 s1, $0x11  }
0xbe: {  	s0 =	sor.u32 s1, s0  }
0xbf: {  	s0 =	sadd.s32 $0x8F2B, s0  }
0xc0: {  	[sflag:s0] =	ssyncadd.remote.s32 $0x1  }
0xc1: {  	_ =	sfence.sel $0xFFFF  }
0xc2: {  	[dreg:$0x0] =	wrdreg $0xFFFFFFFF;
	(pc) =	sbr.abs _section_cstart, $3  }
0xc3: {  	[dreg:$0x1] =	wrdreg $0xFFFFFFFF  }
0xc4: {  	_ =	task.clear_ibuf [dreg:s8], $0x2FFFF;
	_ =	strace $0x9FFFFFFF  }
0xc5: {  	(tm) =	ssettm $0x7FFFFFFF  }
tec
execute0_lowered:
.L_overlay_start_1:
0x0: {  	(tag) =	ssettag $0x1  }
0x1: {  	s0 =	rddreg [dreg:$0x0]  }
0x2: {  	s1 =	rddreg [dreg:$0x1]  }
0x3: {  	s2 =	srdreg.scid;
	s5 =	rddreg [dreg:$0x2]  }
0x4: {  	s10 =	stileid.u32;
	s3 =	rddreg [dreg:$0x3]  }
0x5: {  	s4 =	simm.s32 $0x0;
	s31 =	simm.s32 $0x1;
	s7 =	smul.u32 $0x13C00, s10  }
0x6: {  	s2 =	sand.u32 $0x1, s2;
	s8 =	sshll.u32 s10, $0x1;
	s9 =	smul.u32 $0x4F000, s10  }
0x7: {  	[smem:$0x7FF] =	sst s4;
	s20 =	sadd.s32 $0xA00, s5;
	s23 =	smul.u32 $0x4E20, s10  }
0x8: {  	s6 =	smul.u32 $0x13C000, s2;
	s19 =	sor.u32 s2, s8;
	_ =	strace $0x80000047  }
0x9: {  	[dreg:$0x5] =	wrdreg s20;
	s21 =	ssub.s32 $0x2, s2;
	s2 =	smul.u32 $0x2710, s2  }
0xa: {  	s22 =	sshrl.u32 s21, $0x1;
	s9 =	sshrl.u32 s9, $0x2;
	s6 =	sadd.s32 s7, s6  }
0xb: {  	s7 =	smul.u32 $0x2710, s19;
	s8 =	ssub.s32 s21, s22;
	s2 =	sadd.s32 s2, s23  }
0xc: {  	s14 =	sadd.s32 s9, s3;
	s19 =	simm.s32 $0x50;
	s21 =	simm.s32 $0x80  }
0xd: {  	s23 =	simm.s32 $0x100;
	s6 =	sshrl.u32 s6, $0x3;
	s7 =	sshrl.u32 s7, $0x3  }
0xe: {  	s16 =	smax.u32 s8, $0x1;
	s5 =	sadd.s32 s6, s5;
	s6 =	sadd.s32 s1, s7  }
0xf: {  	s7 =	sadd.s32 $0x140, s2;
	s15 =	sadd.s32 $0x3200, s5;
	s24 =	sadd.s32 $0xA, s6  }
0x10: {  	s2 =	sadd.s32 $0x4E340, s2;
	s25 =	sadd.s32 $0x14, s6;
	[dreg:$0x6] =	wrdreg s24  }
0x11: {  	s26 =	sadd.s32 $0x9C40, s6;
	s28 =	sadd.s32 $0x9C4A, s6;
	[dreg:$0x7] =	wrdreg s25  }
0x12: {  	s29 =	sadd.s32 $0x9C54, s6;
	s12 =	sadd.s32 $0x1E, s6;
	[dreg:$0x8] =	wrdreg s26  }
0x13: {  	s13 =	sadd.s32 $0x9C5E, s6;
	s30 =	sshrl.u32 s7, $0x3;
	[dreg:$0x9] =	wrdreg s28  }
0x14: {  	s2 =	sshrl.u32 s2, $0x3;
	[dreg:$0xa] =	wrdreg s29;
	s8 =	sadd.s32 s30, s1  }
0x15: {  	s5 =	sadd.s32 s2, s1;
	s2 =	simm.s32 $0x3;
	s1 =	simm.s32 $0x0  }
.LBB2_1:
0x16: {  	[tilespmem:s4], [sflag:$0x3] =	stream.linear.gather [hbm4b:s6+s4], $0x50, $0x38;
	[tilespmem:$0x1E000] =	vst v63  }
0x17: {  	_ =	swait.ge [sflag:s2], $0x50  }
0x18: {  	[sflag:s2] =	ssyncset.done $0x0  }
0x19: {  	s7 =	simm.s32 $0x400;
	[sflag:s2] =	ssyncadd.s32 $0xFFFFFFB0  }
0x1a: {  	[tilespmem:s7], [sflag:$0x1] =	stream.indirect.gather [hbm4b:s0+s19], $0x80, s4, s19, $0xb8;
	[tilespmem:$0x1E000] =	vst v63  }
0x1b: {  	s10 =	rddreg [dreg:$0x6]  }
0x1c: {  	[tilespmem:s21], [sflag:$0x3] =	stream.linear.gather [hbm4b:s10+s4], $0x50, $0x38;
	[tilespmem:$0x1E000] =	vst v63  }
0x1d: {  	_ =	swait.ge [sflag:s2], $0x50  }
0x1e: {  	[sflag:s2] =	ssyncset.done $0x0  }
0x1f: {  	s11 =	simm.s32 $0x2C00;
	[sflag:s2] =	ssyncadd.s32 $0xFFFFFFB0  }
0x20: {  	[tilespmem:s11], [sflag:$0x1] =	stream.indirect.gather [hbm4b:s0+s19], $0x80, s21, s19, $0xb8;
	[tilespmem:$0x1E000] =	vst v63  }
0x21: {  	s17 =	rddreg [dreg:$0x7]  }
0x22: {  	[tilespmem:s23], [sflag:$0x3] =	stream.linear.gather [hbm4b:s17+s4], $0x50, $0x38;
	[tilespmem:$0x1E000] =	vst v63  }
0x23: {  	_ =	swait.ge [sflag:s2], $0x50  }
0x24: {  	[sflag:s2] =	ssyncset.done $0x0  }
0x25: {  	s18 =	simm.s32 $0x5400;
	[sflag:s2] =	ssyncadd.s32 $0xFFFFFFB0  }
0x26: {  	[tilespmem:s18], [sflag:$0x1] =	stream.indirect.gather [hbm4b:s0+s19], $0x80, s23, s19, $0xb8;
	[tilespmem:$0x1E000] =	vst v63  }
0x27: {  	s9 =	simm.s32 $0x200;
	s20 =	rddreg [dreg:$0x8]  }
0x28: {  	[tilespmem:s9], [sflag:$0x3] =	stream.linear.gather [hbm4b:s20+s4], $0x50, $0x38;
	[tilespmem:$0x1E000] =	vst v63  }
0x29: {  	_ =	swait.ge [sflag:s2], $0x50  }
0x2a: {  	[sflag:s2] =	ssyncset.done $0x0  }
0x2b: {  	s24 =	simm.s32 $0x280;
	s22 =	rddreg [dreg:$0x9];
	[sflag:s2] =	ssyncadd.s32 $0xFFFFFFB0  }
0x2c: {  	[tilespmem:s24], [sflag:$0x3] =	stream.linear.gather [hbm4b:s22+s4], $0x50, $0x38;
	[tilespmem:$0x1E000] =	vst v63  }
0x2d: {  	_ =	swait.ge [sflag:s2], $0x50  }
0x2e: {  	[sflag:s2] =	ssyncset.done $0x0  }
0x2f: {  	s26 =	simm.s32 $0x300;
	s25 =	rddreg [dreg:$0xa];
	[sflag:s2] =	ssyncadd.s32 $0xFFFFFFB0  }
0x30: {  	[tilespmem:s26], [sflag:$0x3] =	stream.linear.gather [hbm4b:s25+s4], $0x50, $0x38;
	[tilespmem:$0x1E000] =	vst v63  }
0x31: {  	_ =	swait.ge [sflag:s2], $0x50  }
0x32: {  	s10 =	simm.s32 $0x180;
	s17 =	stileid.u32;
	[sflag:s2] =	ssyncset.done $0x0  }
0x33: {  	s11 =	simm.s32 $0x380;
	s7 =	sshll.u32 s17, $0x6;
	[sflag:s2] =	ssyncadd.s32 $0xFFFFFFB0  }
0x34: {  	[tilespmem:s10], [sflag:$0x2] =	stream.linear.gather [hbm4b:s12+s4], $0x50, $0x38;
	[tilespmem:$0x1E000] =	vst v63  }
0x35: {  	s20 =	sor.u32 $0x1C03, s7;
	s22 =	sshrl.u32 s14, $0x3;
	s18 =	rddreg [dreg:$0x5]  }
0x36: {  	[tilespmem:s11], [sflag:$0x2] =	stream.linear.gather [hbm4b:s13+s4], $0x50, $0x38;
	[tilespmem:$0x1E000] =	vst v63  }
0x37: {  	[spmem:s22], [sflag:s20] =	dma.local [hbm:s18], $0x2780  }
0x38: {  	_ =	swait.ge [sflag:s2], $0x2780  }
0x39: {  	s24 =	simm.s32 $0x0;
	[sflag:s2] =	ssyncset.done $0x0  }
0x3a: {  	s7 =	sand.u32 $0x3, s24;
	[sflag:s2] =	ssyncadd.s32 $0xFFFFD880  }
0x3b: {  	s25 =	smul.u32 $0xA000, s7;
	[bflag:$0x0] =	sbarrier.arrive $0xFFFF  }
0x3c: {  	_ =	swait.ge [sflag:s31], $0x2800  }
0x3d: {  	s28 =	sshll.u32 s7, $0x7;
	s9 =	sshrl.u32 s25, $0x2;
	[sflag:s31] =	ssyncset.done $0x0  }
0x3e: {  	s29 =	sor.u32 $0x200, s28;
	s26 =	sor.u32 $0x400, s9;
	[sflag:s31] =	ssyncadd.s32 $0xFFFFD800  }
0x3f: {  	[spmem:s3] =	stream.indirect.scatter.add.f32 [tilespmem:s26], [sflag:$0x3], $0x80, s29, s19, $0xb8;
	[tilespmem:$0x1E000] =	vst v63  }
0x40: {  	_ =	swait.ge [sflag:s2], $0x2800  }
0x41: {  	p0 =	por $0x0, $0x0;
	[sflag:s2] =	ssyncset.done $0x0  }
0x42: {  	s7 =	simm.s32 @!p0 $0x2;
	[sflag:s2] =	ssyncadd.s32 $0xFFFFD800  }
0x43: {  	s30 =	simm.s32 $0x5;
	_ =	swait.ge @!p0 [sflag:s7], $0x50  }
0x44: {  	p1 =	por @!p0 $0x0, $0x0;
	s9 =	sand.u32 @!p0 $0x3, s2;
	[sflag:s7] =	ssyncset.done @!p0 $0x0  }
0x45: {  	p1 =	por p1, p0;
	s10 =	smul.u32 @!p0 $0xA000, s9;
	[sflag:s7] =	ssyncadd.s32 @!p0 $0xFFFFFFB0  }
0x46: {  	s17 =	smov.u32 s8;
	s24 =	simm.s32 $0x4;
	_ =	swait.ge @!p0 [sflag:s7], $0x50  }
0x47: {  	s9 =	sshll.u32 @!p0 s9, $0x7;
	s10 =	sshrl.u32 @!p0 s10, $0x2;
	[sflag:s7] =	ssyncset.done @!p0 $0x0  }
0x48: {  	s10 =	sor.u32 @!p0 $0x400, s10;
	[sflag:s7] =	ssyncadd.s32 @!p0 $0xFFFFFFB0;
	s7 =	simm.s32 @!p0 $0x50  }
0x49: {  	[tilespmem:s10], [sflag:$0x1] =	stream.indirect.gather @!p0 [hbm4b:s0+s7], $0x80, s9, s7, $0xb8;
	[tilespmem:$0x1E000] =	vst v63  }
0x4a: {  	s25 =	sadd.s32 $0xA, s5;
	s18 =	smov.u32 s5;
	s7 =	simm.s32 $0x1  }
0x4b: {  	s26 =	sadd.s32 $0xA, s8;
	s10 =	simm.s32 @!p1 $0x0;
	s9 =	sand.u32 $0x3, s7  }
.LBB2_2:
0x4c: {  	[tilespmem:s28], [sflag:$0x2] =	stream.linear.gather @!p1 [hbm4b:s17+s10], $0x50, $0x38;
	[tilespmem:$0x1E000] =	vst v63  }
0x4d: {  	s17 =	smul.u32 $0xA000, s9;
	s11 =	smov.u32 s30;
	s30 =	sadd.s32 $0x1, s30  }
0x4e: {  	[tilespmem:s29], [sflag:$0x2] =	stream.linear.gather @!p1 [hbm4b:s18+s10], $0x50, $0x38;
	[tilespmem:$0x1E000] =	vst v63  }
0x4f: {  	p0 =	sne.s32 s30, $0x80;
	s10 =	sshrl.u32 s17, $0x2;
	_ =	swait.ge [sflag:s31], $0x2800  }
0x50: {  	s28 =	sshll.u32 s9, $0x7;
	s18 =	smov.u32 s25;
	[sflag:s31] =	ssyncset.done $0x0  }
0x51: {  	s29 =	sor.u32 $0x200, s28;
	s9 =	sor.u32 $0x400, s10;
	[sflag:s31] =	ssyncadd.s32 $0xFFFFD800  }
0x52: {  	[spmem:s3] =	stream.indirect.scatter.add.f32 [tilespmem:s9], [sflag:$0x3], $0x80, s29, s19, $0xb8;
	[tilespmem:$0x1E000] =	vst v63  }
0x53: {  	s17 =	smov.u32 s26;
	_ =	swait.ge [sflag:s2], $0x2800  }
0x54: {  	p2 =	sgt.u32 s7, $0x79;
	[sflag:s2] =	ssyncset.done $0x0  }
0x55: {  	s7 =	sand.u32 @!p2 $0x3, s24;
	s9 =	simm.s32 @!p2 $0x2;
	[sflag:s2] =	ssyncadd.s32 $0xFFFFD800  }
0x56: {  	s10 =	sshll.u32 @!p2 s7, $0x7;
	s7 =	smul.u32 @!p2 $0xA000, s7;
	_ =	swait.ge @!p2 [sflag:s9], $0x50  }
0x57: {  	p1 =	seq.s32 @!p2 s24, $0x7C;
	s24 =	smov.u32 s11;
	[sflag:s9] =	ssyncset.done @!p2 $0x0  }
0x58: {  	s7 =	sshrl.u32 @!p2 s7, $0x2;
	[sflag:s9] =	ssyncadd.s32 @!p2 $0xFFFFFFB0  }
.Ltmp0:
0x59: {  	s11 =	sor.u32 @!p2 $0x400, s7;
	_ =	swait.ge @!p2 [sflag:s9], $0x50;
	(pc) =	sbr.rel @p0 .LBB2_2-.Ltmp0, $4  }
0x5a: {  	s25 =	sadd.s32 $0xA, s25;
	p1 =	por p1, p2;
	[sflag:s9] =	ssyncset.done @!p2 $0x0  }
0x5b: {  	s7 =	sadd.s32 $0xFFFFFFFD, s24;
	[sflag:s9] =	ssyncadd.s32 @!p2 $0xFFFFFFB0;
	s9 =	simm.s32 @!p2 $0x50  }
0x5c: {  	[tilespmem:s11], [sflag:$0x1] =	stream.indirect.gather @!p2 [hbm4b:s0+s9], $0x80, s10, s9, $0xb8;
	[tilespmem:$0x1E000] =	vst v63  }
0x5d: {  	s26 =	sadd.s32 $0xA, s26;
	s9 =	sand.u32 $0x3, s7;
	s10 =	simm.s32 @!p1 $0x0  }
0x5e: {  	[tilespmem:s28], [sflag:$0x2] =	stream.linear.gather @!p1 [hbm4b:s17+s10], $0x50, $0x38;
	[tilespmem:$0x1E000] =	vst v63  }
0x5f: {  	s11 =	smul.u32 $0xA000, s9  }
0x60: {  	[tilespmem:s29], [sflag:$0x2] =	stream.linear.gather @!p1 [hbm4b:s18+s10], $0x50, $0x38;
	[tilespmem:$0x1E000] =	vst v63  }
0x61: {  	_ =	swait.ge [sflag:s31], $0x2800  }
0x62: {  	s9 =	sshll.u32 s9, $0x7;
	s30 =	sshrl.u32 s11, $0x2;
	[sflag:s31] =	ssyncset.done $0x0  }
0x63: {  	s11 =	sor.u32 $0x200, s9;
	s10 =	sor.u32 $0x400, s30;
	[sflag:s31] =	ssyncadd.s32 $0xFFFFD800  }
0x64: {  	[spmem:s3] =	stream.indirect.scatter.add.f32 [tilespmem:s10], [sflag:$0x3], $0x80, s11, s19, $0xb8;
	[tilespmem:$0x1E000] =	vst v63  }
0x65: {  	_ =	swait.ge [sflag:s2], $0x2800  }
0x66: {  	p0 =	sgt.u32 s7, $0x79;
	[sflag:s2] =	ssyncset.done $0x0  }
0x67: {  	s7 =	simm.s32 @!p0 $0x2;
	[sflag:s2] =	ssyncadd.s32 $0xFFFFD800  }
0x68: {  	_ =	swait.ge @!p0 [sflag:s7], $0x50  }
0x69: {  	s10 =	sand.u32 @!p0 $0x3, s24;
	[sflag:s7] =	ssyncset.done @!p0 $0x0  }
0x6a: {  	p1 =	seq.s32 @!p0 s24, $0x7C;
	s17 =	smul.u32 @!p0 $0xA000, s10;
	[sflag:s7] =	ssyncadd.s32 @!p0 $0xFFFFFFB0  }
0x6b: {  	p1 =	por p1, p0;
	_ =	swait.ge @!p0 [sflag:s7], $0x50  }
0x6c: {  	s10 =	sshll.u32 @!p0 s10, $0x7;
	s17 =	sshrl.u32 @!p0 s17, $0x2;
	[sflag:s7] =	ssyncset.done @!p0 $0x0  }
0x6d: {  	s17 =	sor.u32 @!p0 $0x400, s17;
	[sflag:s7] =	ssyncadd.s32 @!p0 $0xFFFFFFB0;
	s7 =	simm.s32 @!p0 $0x50  }
0x6e: {  	[tilespmem:s17], [sflag:$0x1] =	stream.indirect.gather @!p0 [hbm4b:s0+s7], $0x80, s10, s7, $0xb8;
	[tilespmem:$0x1E000] =	vst v63  }
0x6f: {  	s1 =	sadd.s32 $0x1, s1;
	s7 =	simm.s32 @!p1 $0x0  }
0x70: {  	[tilespmem:s9], [sflag:$0x2] =	stream.linear.gather @!p1 [hbm4b:s26+s7], $0x50, $0x38;
	[tilespmem:$0x1E000] =	vst v63  }
0x71: {  	p0 =	sne.s32 s1, s16  }
0x72: {  	[tilespmem:s11], [sflag:$0x2] =	stream.linear.gather @!p1 [hbm4b:s25+s7], $0x50, $0x38;
	[tilespmem:$0x1E000] =	vst v63  }
.Ltmp1:
0x73: {  	[bflag:$0x0] =	sbarrier.arrive $0xFFFF;
	(pc) =	sbr.rel @p0 .LBB2_1-.Ltmp1, $4  }
0x74: {  	[hbm:s15], [sflag:s20] =	dma.local [spmem:s22], $0x2780  }
0x75: {  	_ =	swait.ge [sflag:s2], $0x2780  }
0x76: {  	[sflag:s2] =	ssyncset.done $0x0  }
0x77: {  	[sflag:s2] =	ssyncadd.s32 $0xFFFFD880  }
0x78: {  	_ =	sfence.sel $0x180000  }
0x79: {  	[bflag:$0x0] =	sbarrier.arrive $0xFFFF  }
0x7a: {  	_ =	strace $0x90000047  }
0x7b: {  	s0 =	stileid.u32;
	[bflag:$0x2] =	sbarrier.arrive $0xFFFF  }
0x7c: {  	p0 =	sne.s32 s0, $0x0;
	s0 =	rddreg [dreg:$0x4]  }
0x7d: {  	s0 =	sadd.s32 @!p0 $0x100000, s0  }
0x7e: {  	[sflag:s0] =	ssyncadd.tile.s32 @!p0 $0x1;
	_ =	shalt  }
.Lfunc_end2:
_tile_overlayer_lowered:
.L_overlay_start_2:
0x7f: {  	(tag) =	ssettag $0x2  }
0x80: {  	s0 =	rddreg [dreg:$0x0];
	s2 =	stileid.u32  }
0x81: {  	s1 =	rddreg [dreg:$0x1];
	p0 =	sne.s32 s2, $0x0  }
0x82: {  	s3 =	rddreg [dreg:$0x2];
	[bflag:$0x3] =	sbarrier.arrive $0xFFFF;
	s2 =	simm.s32 @!p0 $0x1C03  }
0x83: {  	[timem:s3], [sflag:s2] =	dma.local @!p0 [hbm:s0], s1  }
0x84: {  	s0 =	simm.s32 @!p0 $0x3  }
0x85: {  	_ =	swait.ge @!p0 [sflag:s0], s1  }
0x86: {  	s1 =	ssub.s32 @!p0 $0x0, s1;
	[sflag:s0] =	ssyncset.done @!p0 $0x0  }
0x87: {  	[sflag:s0] =	ssyncadd.s32 @!p0 s1  }
0x88: {  	[bflag:$0x3] =	sbarrier.arrive $0xFFFF  }
0x89: {  	_ =	shalt  }

</sc_bundles>
